<compile_context>
chip_gen: v7x
topology: tpu7x:2x2x1
jax: 0.10.2.dev20260603
libtpu: 0.0.44.dev20260713+nightly
codegen_flags: <defaults>
</compile_context>

<pallas_src>
import functools

import jax
import jax.numpy as jnp
import numpy as np
from jax import lax
from jax.experimental import pallas as pl
from jax.experimental.pallas import tpu as pltpu
from jax.experimental.pallas import tpu_sc as plsc

N = 262144
C = 100
G = 2048


R = 16384
NB = N // R


def _ce_body(pred_ref, tgt_ref, loss_ref):
    x = pred_ref[...]
    t = tgt_ref[...] - 1
    m = jnp.max(x, axis=1, keepdims=True)
    ex = jnp.exp(x - m)
    cls = lax.broadcasted_iota(jnp.int32, (R, C), 1)
    pick_mat = jnp.where(cls == t[:, None], x, 0.0)
    ones = jnp.ones((C, 128), jnp.float32)
    s = lax.dot(ex, ones)
    picked = lax.dot(pick_mat, ones)
    lb = m + jnp.log(s) - picked
    rows = lax.broadcasted_iota(jnp.int32, (R, 128), 0)
    lanes = lax.broadcasted_iota(jnp.int32, (R, 128), 1)
    sel = jnp.where((rows & 127) == lanes, lb, 0.0)
    loss_ref[...] = jnp.sum(sel.reshape(R // 128, 128, 128), axis=1)


def _ce_loss(pred, tgt):
    out = pl.pallas_call(
        _ce_body,
        grid=(NB,),
        in_specs=[
            pl.BlockSpec((R, C), lambda i: (i, 0)),
            pl.BlockSpec((R,), lambda i: (i,)),
        ],
        out_specs=pl.BlockSpec((R // 128, 128), lambda i: (i, 0)),
        out_shape=jax.ShapeDtypeStruct((N // 128, 128), jnp.float32),
    )(pred, tgt)
    return out.reshape(N)



L = 16
NC = 2
NS = 16
NW = NC * NS
CHUNK = N // NW


@functools.cache
def _build_seg_kernel():
    mesh = plsc.VectorSubcoreMesh(
        core_axis_name="c", subcore_axis_name="s",
        num_cores=NC, num_subcores=NS)

    @functools.partial(
        pl.kernel,
        out_type=(
            jax.ShapeDtypeStruct((NW, G), jnp.float32),
            jax.ShapeDtypeStruct((NW, G), jnp.float32),
        ),
        mesh=mesh,
        compiler_params=pltpu.CompilerParams(needs_layout_passes=False),
        scratch_types=[
            pltpu.VMEM((CHUNK,), jnp.int32),
            pltpu.VMEM((CHUNK,), jnp.float32),
            pltpu.VMEM((G,), jnp.float32),
            pltpu.VMEM((G,), jnp.float32),
        ],
    )
    def _seg_kernel(loss_hbm, idx_hbm, sums_out, counts_out,
                    idx_v, loss_v, acc_s, acc_c):
        c = lax.axis_index("c")
        s = lax.axis_index("s")
        wid = c * NS + s
        base = wid * CHUNK
        pltpu.sync_copy(idx_hbm.at[pl.ds(base, CHUNK)], idx_v)
        pltpu.sync_copy(loss_hbm.at[pl.ds(base, CHUNK)], loss_v)

        zeros = jnp.zeros((L,), jnp.float32)
        ones = jnp.ones((L,), jnp.float32)
        for k in range(G // L):
            acc_s[pl.ds(k * L, L)] = zeros
            acc_c[pl.ds(k * L, L)] = zeros

        def body(i, carry):
            off = i * L
            ids = idx_v[pl.ds(off, L)]
            vals = loss_v[pl.ds(off, L)]
            plsc.addupdate_scatter(acc_s, [ids], vals)
            plsc.addupdate_scatter(acc_c, [ids], ones)
            return carry
        lax.fori_loop(0, CHUNK // L, body, 0)

        pltpu.sync_copy(acc_s, sums_out.at[wid])
        pltpu.sync_copy(acc_c, counts_out.at[wid])

    return _seg_kernel



def _fin_body(sums_ref, counts_ref, out_ref):
    sums = jnp.sum(sums_ref[...], axis=0)
    counts = jnp.sum(counts_ref[...], axis=0)
    per_graph = sums / jnp.maximum(counts, 1.0)
    out_ref[...] = jnp.full((8, 128), jnp.sum(per_graph) / np.float32(G),
                            jnp.float32)


def _finalize(sums, counts):
    return pl.pallas_call(
        _fin_body,
        out_shape=jax.ShapeDtypeStruct((8, 128), jnp.float32),
    )(sums, counts)


def kernel(pred_atom_types, target_atom_types, batch_idx):
    tgt = target_atom_types.astype(jnp.int32)
    idx = batch_idx.astype(jnp.int32)
    loss = _ce_loss(pred_atom_types, tgt)
    sums, counts = _build_seg_kernel()(loss, idx)
    return _finalize(sums, counts)[0, 0]

# --- scband reference (transcript-rebuilt; emitter-appended) ---
"""Pipeline reference for scband-base-model-9887014715820 (READ-ONLY COPY).

The authoritative reference and input builder live on the scoring server;
editing this copy changes nothing except your own understanding.
"""

import jax, jax.numpy as jnp
import numpy as np

N = 262144   # total atoms in batch
C = 100      # number of atom-type classes
G = 2048     # number of structures (graphs) in batch


def setup_inputs(seed: int = 0) -> dict:
    key = jax.random.key(seed)
    k1, k2, k3 = jax.random.split(key, 3)
    pred_atom_types = jax.random.normal(k1, (N, C), dtype=jnp.float32)
    # atomic numbers are 1-indexed in the original model (forward subtracts 1)
    target_atom_types = jax.random.randint(k2, (N,), 1, C + 1)
    batch_idx = jnp.sort(jax.random.randint(k3, (N,), 0, G))
    return {
        "pred_atom_types": pred_atom_types,
        "target_atom_types": target_atom_types,
        "batch_idx": batch_idx,
    }


def _cross_entropy(logits, targets):
    # F.cross_entropy(reduction='none'): logsumexp(logits) - logits[target]
    logz = jax.nn.logsumexp(logits, axis=-1)
    picked = jnp.take_along_axis(logits, targets[:, None], axis=-1)[:, 0]
    return logz - picked


def _segment_mean(data, segment_ids, num_segments):
    # torch_scatter.scatter(..., reduce='mean')
    sums = jax.ops.segment_sum(data, segment_ids, num_segments=num_segments)
    counts = jax.ops.segment_sum(jnp.ones_like(data), segment_ids, num_segments=num_segments)
    return sums / jnp.maximum(counts, 1.0)


def reference(pred_atom_types, target_atom_types, batch_idx):
    # BaseModel.type_loss
    tgt = target_atom_types - 1
    loss = _cross_entropy(pred_atom_types, tgt)
    per_graph = _segment_mean(loss, batch_idx, G)
    return per_graph.mean()

if __name__ == "__main__":
    import jax
    _d = setup_inputs()
    print(jax.jit(kernel)(*tuple(_d.values())))

</pallas_src>

<mosaic_0001>
#map = affine_map<(d0, d1) -> (0)>
#map1 = affine_map<(d0, d1) -> (0, 0)>
module attributes {stable_mosaic.version = 14 : i64} {
  func.func @_seg_kernel(%arg0: i32, %arg1: i32, %arg2: memref<262144xf32, #tpu.memory_space<hbm>>, %arg3: memref<262144xi32, #tpu.memory_space<hbm>>, %arg4: memref<32x2048xf32, #tpu.memory_space<hbm>>, %arg5: memref<32x2048xf32, #tpu.memory_space<hbm>>, %arg6: memref<8192xi32, #tpu.memory_space<vmem>>, %arg7: memref<8192xf32, #tpu.memory_space<vmem>>, %arg8: memref<2048xf32, #tpu.memory_space<vmem>>, %arg9: memref<2048xf32, #tpu.memory_space<vmem>>) attributes {dimension_semantics = [#tpu.dimension_semantics<core_parallel>, #tpu.dimension_semantics<subcore_parallel>], iteration_bounds = array<i64: 2, 16>, scalar_prefetch = 0 : i64, scratch_operands = 4 : i64, tpu.core_type = #tpu.core_type<sc_vector_subcore>, window_params = [{transform_indices = #map}, {transform_indices = #map}, {transform_indices = #map1}, {transform_indices = #map1}]} {
    %mul3A = arith.constant 16 : i32
    %mul3A_0 = arith.muli %arg0, %mul3A : i32
    %add3A = arith.addi %mul3A_0, %arg1 : i32
    %mul3A_1 = arith.constant 8192 : i32
    %mul3A_2 = arith.muli %add3A, %mul3A_1 : i32
    "tpu.region"() ({
      %run_scoped3A = tpu.sem_alloc : memref<!tpu.dma_semaphore, #tpu.memory_space<semaphore_mem>>
      %dma_start3A = tpu.memref_slice %arg3[%mul3A_2] : memref<262144xi32, #tpu.memory_space<hbm>> -> memref<8192xi32, #tpu.memory_space<hbm>>
      %dma_start3A_522 = tpu.memref_slice %arg3[%mul3A_2] : memref<262144xi32, #tpu.memory_space<hbm>> -> memref<8192xi32, #tpu.memory_space<hbm>>
      tpu.enqueue_dma source(%dma_start3A_522 : memref<8192xi32, #tpu.memory_space<hbm>>) target(%arg6 : memref<8192xi32, #tpu.memory_space<vmem>>) target_semaphore(%run_scoped3A : memref<!tpu.dma_semaphore, #tpu.memory_space<semaphore_mem>>)
      %dma_wait3A = tpu.memref_slice %arg3[%mul3A_2] : memref<262144xi32, #tpu.memory_space<hbm>> -> memref<8192xi32, #tpu.memory_space<hbm>>
      %dma_wait3A_523 = tpu.memref_slice %arg3[%mul3A_2] : memref<262144xi32, #tpu.memory_space<hbm>> -> memref<8192xi32, #tpu.memory_space<hbm>>
      tpu.wait_dma2 semaphore(%run_scoped3A : memref<!tpu.dma_semaphore, #tpu.memory_space<semaphore_mem>>) src(%dma_wait3A_523 : memref<8192xi32, #tpu.memory_space<hbm>>) dst(%arg6 : memref<8192xi32, #tpu.memory_space<vmem>>)
      tpu.yield
    }) : () -> ()
    "tpu.region"() ({
      %run_scoped3A = tpu.sem_alloc : memref<!tpu.dma_semaphore, #tpu.memory_space<semaphore_mem>>
      %dma_start3A = tpu.memref_slice %arg2[%mul3A_2] : memref<262144xf32, #tpu.memory_space<hbm>> -> memref<8192xf32, #tpu.memory_space<hbm>>
      %dma_start3A_522 = tpu.memref_slice %arg2[%mul3A_2] : memref<262144xf32, #tpu.memory_space<hbm>> -> memref<8192xf32, #tpu.memory_space<hbm>>
      tpu.enqueue_dma source(%dma_start3A_522 : memref<8192xf32, #tpu.memory_space<hbm>>) target(%arg7 : memref<8192xf32, #tpu.memory_space<vmem>>) target_semaphore(%run_scoped3A : memref<!tpu.dma_semaphore, #tpu.memory_space<semaphore_mem>>)
      %dma_wait3A = tpu.memref_slice %arg2[%mul3A_2] : memref<262144xf32, #tpu.memory_space<hbm>> -> memref<8192xf32, #tpu.memory_space<hbm>>
      %dma_wait3A_523 = tpu.memref_slice %arg2[%mul3A_2] : memref<262144xf32, #tpu.memory_space<hbm>> -> memref<8192xf32, #tpu.memory_space<hbm>>
      tpu.wait_dma2 semaphore(%run_scoped3A : memref<!tpu.dma_semaphore, #tpu.memory_space<semaphore_mem>>) src(%dma_wait3A_523 : memref<8192xf32, #tpu.memory_space<hbm>>) dst(%arg7 : memref<8192xf32, #tpu.memory_space<vmem>>)
      tpu.yield
    }) : () -> ()
    %broadcast_in_dim3A = arith.constant 0.000000e+00 : f32
    %broadcast_in_dim3A_3 = vector.broadcast %broadcast_in_dim3A : f32 to vector<16xf32>
    %broadcast_in_dim3A_4 = arith.constant 1.000000e+00 : f32
    %broadcast_in_dim3A_5 = vector.broadcast %broadcast_in_dim3A_4 : f32 to vector<16xf32>
    %swap3A = arith.constant 0 : index
    %swap3A_6 = tpu.vector_load %arg8[%swap3A] {strides = array<i32>} : memref<2048xf32, #tpu.memory_space<vmem>>, vector<16xf32>,
    tpu.vector_store %arg8[%swap3A], %broadcast_in_dim3A_3 {strides = array<i32>} : memref<2048xf32, #tpu.memory_space<vmem>>, vector<16xf32>,
    %swap3A_7 = arith.constant 0 : index
    %swap3A_8 = tpu.vector_load %arg9[%swap3A_7] {strides = array<i32>} : memref<2048xf32, #tpu.memory_space<vmem>>, vector<16xf32>,
    tpu.vector_store %arg9[%swap3A_7], %broadcast_in_dim3A_3 {strides = array<i32>} : memref<2048xf32, #tpu.memory_space<vmem>>, vector<16xf32>,
    %swap3A_9 = arith.constant 16 : index
    %swap3A_10 = tpu.vector_load %arg8[%swap3A_9] {strides = array<i32>} : memref<2048xf32, #tpu.memory_space<vmem>>, vector<16xf32>,
    tpu.vector_store %arg8[%swap3A_9], %broadcast_in_dim3A_3 {strides = array<i32>} : memref<2048xf32, #tpu.memory_space<vmem>>, vector<16xf32>,
    %swap3A_11 = arith.constant 16 : index
    %swap3A_12 = tpu.vector_load %arg9[%swap3A_11] {strides = array<i32>} : memref<2048xf32, #tpu.memory_space<vmem>>, vector<16xf32>,
    tpu.vector_store %arg9[%swap3A_11], %broadcast_in_dim3A_3 {strides = array<i32>} : memref<2048xf32, #tpu.memory_space<vmem>>, vector<16xf32>,
    %swap3A_13 = arith.constant 32 : index
    %swap3A_14 = tpu.vector_load %arg8[%swap3A_13] {strides = array<i32>} : memref<2048xf32, #tpu.memory_space<vmem>>, vector<16xf32>,
    tpu.vector_store %arg8[%swap3A_13], %broadcast_in_dim3A_3 {strides = array<i32>} : memref<2048xf32, #tpu.memory_space<vmem>>, vector<16xf32>,
    %swap3A_15 = arith.constant 32 : index
    %swap3A_16 = tpu.vector_load %arg9[%swap3A_15] {strides = array<i32>} : memref<2048xf32, #tpu.memory_space<vmem>>, vector<16xf32>,
    tpu.vector_store %arg9[%swap3A_15], %broadcast_in_dim3A_3 {strides = array<i32>} : memref<2048xf32, #tpu.memory_space<vmem>>, vector<16xf32>,
    %swap3A_17 = arith.constant 48 : index
    %swap3A_18 = tpu.vector_load %arg8[%swap3A_17] {strides = array<i32>} : memref<2048xf32, #tpu.memory_space<vmem>>, vector<16xf32>,
    tpu.vector_store %arg8[%swap3A_17], %broadcast_in_dim3A_3 {strides = array<i32>} : memref<2048xf32, #tpu.memory_space<vmem>>, vector<16xf32>,
    %swap3A_19 = arith.constant 48 : index
    %swap3A_20 = tpu.vector_load %arg9[%swap3A_19] {strides = array<i32>} : memref<2048xf32, #tpu.memory_space<vmem>>, vector<16xf32>,
    tpu.vector_store %arg9[%swap3A_19], %broadcast_in_dim3A_3 {strides = array<i32>} : memref<2048xf32, #tpu.memory_space<vmem>>, vector<16xf32>,
    %swap3A_21 = arith.constant 64 : index
    %swap3A_22 = tpu.vector_load %arg8[%swap3A_21] {strides = array<i32>} : memref<2048xf32, #tpu.memory_space<vmem>>, vector<16xf32>,
    tpu.vector_store %arg8[%swap3A_21], %broadcast_in_dim3A_3 {strides = array<i32>} : memref<2048xf32, #tpu.memory_space<vmem>>, vector<16xf32>,
    %swap3A_23 = arith.constant 64 : index
    %swap3A_24 = tpu.vector_load %arg9[%swap3A_23] {strides = array<i32>} : memref<2048xf32, #tpu.memory_space<vmem>>, vector<16xf32>,
    tpu.vector_store %arg9[%swap3A_23], %broadcast_in_dim3A_3 {strides = array<i32>} : memref<2048xf32, #tpu.memory_space<vmem>>, vector<16xf32>,
    %swap3A_25 = arith.constant 80 : index
    %swap3A_26 = tpu.vector_load %arg8[%swap3A_25] {strides = array<i32>} : memref<2048xf32, #tpu.memory_space<vmem>>, vector<16xf32>,
    tpu.vector_store %arg8[%swap3A_25], %broadcast_in_dim3A_3 {strides = array<i32>} : memref<2048xf32, #tpu.memory_space<vmem>>, vector<16xf32>,
    %swap3A_27 = arith.constant 80 : index
    %swap3A_28 = tpu.vector_load %arg9[%swap3A_27] {strides = array<i32>} : memref<2048xf32, #tpu.memory_space<vmem>>, vector<16xf32>,
    tpu.vector_store %arg9[%swap3A_27], %broadcast_in_dim3A_3 {strides = array<i32>} : memref<2048xf32, #tpu.memory_space<vmem>>, vector<16xf32>,
    %swap3A_29 = arith.constant 96 : index
    %swap3A_30 = tpu.vector_load %arg8[%swap3A_29] {strides = array<i32>} : memref<2048xf32, #tpu.memory_space<vmem>>, vector<16xf32>,
    tpu.vector_store %arg8[%swap3A_29], %broadcast_in_dim3A_3 {strides = array<i32>} : memref<2048xf32, #tpu.memory_space<vmem>>, vector<16xf32>,
    %swap3A_31 = arith.constant 96 : index
    %swap3A_32 = tpu.vector_load %arg9[%swap3A_31] {strides = array<i32>} : memref<2048xf32, #tpu.memory_space<vmem>>, vector<16xf32>,
    tpu.vector_store %arg9[%swap3A_31], %broadcast_in_dim3A_3 {strides = array<i32>} : memref<2048xf32, #tpu.memory_space<vmem>>, vector<16xf32>,
    %swap3A_33 = arith.constant 112 : index
    %swap3A_34 = tpu.vector_load %arg8[%swap3A_33] {strides = array<i32>} : memref<2048xf32, #tpu.memory_space<vmem>>, vector<16xf32>,
    tpu.vector_store %arg8[%swap3A_33], %broadcast_in_dim3A_3 {strides = array<i32>} : memref<2048xf32, #tpu.memory_space<vmem>>, vector<16xf32>,
    %swap3A_35 = arith.constant 112 : index
    %swap3A_36 = tpu.vector_load %arg9[%swap3A_35] {strides = array<i32>} : memref<2048xf32, #tpu.memory_space<vmem>>, vector<16xf32>,
    tpu.vector_store %arg9[%swap3A_35], %broadcast_in_dim3A_3 {strides = array<i32>} : memref<2048xf32, #tpu.memory_space<vmem>>, vector<16xf32>,
    %swap3A_37 = arith.constant 128 : index
    %swap3A_38 = tpu.vector_load %arg8[%swap3A_37] {strides = array<i32>} : memref<2048xf32, #tpu.memory_space<vmem>>, vector<16xf32>,
    tpu.vector_store %arg8[%swap3A_37], %broadcast_in_dim3A_3 {strides = array<i32>} : memref<2048xf32, #tpu.memory_space<vmem>>, vector<16xf32>,
    %swap3A_39 = arith.constant 128 : index
    %swap3A_40 = tpu.vector_load %arg9[%swap3A_39] {strides = array<i32>} : memref<2048xf32, #tpu.memory_space<vmem>>, vector<16xf32>,
    tpu.vector_store %arg9[%swap3A_39], %broadcast_in_dim3A_3 {strides = array<i32>} : memref<2048xf32, #tpu.memory_space<vmem>>, vector<16xf32>,
    %swap3A_41 = arith.constant 144 : index
    %swap3A_42 = tpu.vector_load %arg8[%swap3A_41] {strides = array<i32>} : memref<2048xf32, #tpu.memory_space<vmem>>, vector<16xf32>,
    tpu.vector_store %arg8[%swap3A_41], %broadcast_in_dim3A_3 {strides = array<i32>} : memref<2048xf32, #tpu.memory_space<vmem>>, vector<16xf32>,
    %swap3A_43 = arith.constant 144 : index
    %swap3A_44 = tpu.vector_load %arg9[%swap3A_43] {strides = array<i32>} : memref<2048xf32, #tpu.memory_space<vmem>>, vector<16xf32>,
    tpu.vector_store %arg9[%swap3A_43], %broadcast_in_dim3A_3 {strides = array<i32>} : memref<2048xf32, #tpu.memory_space<vmem>>, vector<16xf32>,
    %swap3A_45 = arith.constant 160 : index
    %swap3A_46 = tpu.vector_load %arg8[%swap3A_45] {strides = array<i32>} : memref<2048xf32, #tpu.memory_space<vmem>>, vector<16xf32>,
    tpu.vector_store %arg8[%swap3A_45], %broadcast_in_dim3A_3 {strides = array<i32>} : memref<2048xf32, #tpu.memory_space<vmem>>, vector<16xf32>,
    %swap3A_47 = arith.constant 160 : index
    %swap3A_48 = tpu.vector_load %arg9[%swap3A_47] {strides = array<i32>} : memref<2048xf32, #tpu.memory_space<vmem>>, vector<16xf32>,
    tpu.vector_store %arg9[%swap3A_47], %broadcast_in_dim3A_3 {strides = array<i32>} : memref<2048xf32, #tpu.memory_space<vmem>>, vector<16xf32>,
    %swap3A_49 = arith.constant 176 : index
    %swap3A_50 = tpu.vector_load %arg8[%swap3A_49] {strides = array<i32>} : memref<2048xf32, #tpu.memory_space<vmem>>, vector<16xf32>,
    tpu.vector_store %arg8[%swap3A_49], %broadcast_in_dim3A_3 {strides = array<i32>} : memref<2048xf32, #tpu.memory_space<vmem>>, vector<16xf32>,
    %swap3A_51 = arith.constant 176 : index
    %swap3A_52 = tpu.vector_load %arg9[%swap3A_51] {strides = array<i32>} : memref<2048xf32, #tpu.memory_space<vmem>>, vector<16xf32>,
    tpu.vector_store %arg9[%swap3A_51], %broadcast_in_dim3A_3 {strides = array<i32>} : memref<2048xf32, #tpu.memory_space<vmem>>, vector<16xf32>,
    %swap3A_53 = arith.constant 192 : index
    %swap3A_54 = tpu.vector_load %arg8[%swap3A_53] {strides = array<i32>} : memref<2048xf32, #tpu.memory_space<vmem>>, vector<16xf32>,
    tpu.vector_store %arg8[%swap3A_53], %broadcast_in_dim3A_3 {strides = array<i32>} : memref<2048xf32, #tpu.memory_space<vmem>>, vector<16xf32>,
    %swap3A_55 = arith.constant 192 : index
    %swap3A_56 = tpu.vector_load %arg9[%swap3A_55] {strides = array<i32>} : memref<2048xf32, #tpu.memory_space<vmem>>, vector<16xf32>,
    tpu.vector_store %arg9[%swap3A_55], %broadcast_in_dim3A_3 {strides = array<i32>} : memref<2048xf32, #tpu.memory_space<vmem>>, vector<16xf32>,
    %swap3A_57 = arith.constant 208 : index
    %swap3A_58 = tpu.vector_load %arg8[%swap3A_57] {strides = array<i32>} : memref<2048xf32, #tpu.memory_space<vmem>>, vector<16xf32>,
    tpu.vector_store %arg8[%swap3A_57], %broadcast_in_dim3A_3 {strides = array<i32>} : memref<2048xf32, #tpu.memory_space<vmem>>, vector<16xf32>,
    %swap3A_59 = arith.constant 208 : index
    %swap3A_60 = tpu.vector_load %arg9[%swap3A_59] {strides = array<i32>} : memref<2048xf32, #tpu.memory_space<vmem>>, vector<16xf32>,
    tpu.vector_store %arg9[%swap3A_59], %broadcast_in_dim3A_3 {strides = array<i32>} : memref<2048xf32, #tpu.memory_space<vmem>>, vector<16xf32>,
    %swap3A_61 = arith.constant 224 : index
    %swap3A_62 = tpu.vector_load %arg8[%swap3A_61] {strides = array<i32>} : memref<2048xf32, #tpu.memory_space<vmem>>, vector<16xf32>,
    tpu.vector_store %arg8[%swap3A_61], %broadcast_in_dim3A_3 {strides = array<i32>} : memref<2048xf32, #tpu.memory_space<vmem>>, vector<16xf32>,
    %swap3A_63 = arith.constant 224 : index
    %swap3A_64 = tpu.vector_load %arg9[%swap3A_63] {strides = array<i32>} : memref<2048xf32, #tpu.memory_space<vmem>>, vector<16xf32>,
    tpu.vector_store %arg9[%swap3A_63], %broadcast_in_dim3A_3 {strides = array<i32>} : memref<2048xf32, #tpu.memory_space<vmem>>, vector<16xf32>,
    %swap3A_65 = arith.constant 240 : index
    %swap3A_66 = tpu.vector_load %arg8[%swap3A_65] {strides = array<i32>} : memref<2048xf32, #tpu.memory_space<vmem>>, vector<16xf32>,
    tpu.vector_store %arg8[%swap3A_65], %broadcast_in_dim3A_3 {strides = array<i32>} : memref<2048xf32, #tpu.memory_space<vmem>>, vector<16xf32>,
    %swap3A_67 = arith.constant 240 : index
    %swap3A_68 = tpu.vector_load %arg9[%swap3A_67] {strides = array<i32>} : memref<2048xf32, #tpu.memory_space<vmem>>, vector<16xf32>,
    tpu.vector_store %arg9[%swap3A_67], %broadcast_in_dim3A_3 {strides = array<i32>} : memref<2048xf32, #tpu.memory_space<vmem>>, vector<16xf32>,
    %swap3A_69 = arith.constant 256 : index
    %swap3A_70 = tpu.vector_load %arg8[%swap3A_69] {strides = array<i32>} : memref<2048xf32, #tpu.memory_space<vmem>>, vector<16xf32>,
    tpu.vector_store %arg8[%swap3A_69], %broadcast_in_dim3A_3 {strides = array<i32>} : memref<2048xf32, #tpu.memory_space<vmem>>, vector<16xf32>,
    %swap3A_71 = arith.constant 256 : index
    %swap3A_72 = tpu.vector_load %arg9[%swap3A_71] {strides = array<i32>} : memref<2048xf32, #tpu.memory_space<vmem>>, vector<16xf32>,
    tpu.vector_store %arg9[%swap3A_71], %broadcast_in_dim3A_3 {strides = array<i32>} : memref<2048xf32, #tpu.memory_space<vmem>>, vector<16xf32>,
    %swap3A_73 = arith.constant 272 : index
    %swap3A_74 = tpu.vector_load %arg8[%swap3A_73] {strides = array<i32>} : memref<2048xf32, #tpu.memory_space<vmem>>, vector<16xf32>,
    tpu.vector_store %arg8[%swap3A_73], %broadcast_in_dim3A_3 {strides = array<i32>} : memref<2048xf32, #tpu.memory_space<vmem>>, vector<16xf32>,
    %swap3A_75 = arith.constant 272 : index
    %swap3A_76 = tpu.vector_load %arg9[%swap3A_75] {strides = array<i32>} : memref<2048xf32, #tpu.memory_space<vmem>>, vector<16xf32>,
    tpu.vector_store %arg9[%swap3A_75], %broadcast_in_dim3A_3 {strides = array<i32>} : memref<2048xf32, #tpu.memory_space<vmem>>, vector<16xf32>,
    %swap3A_77 = arith.constant 288 : index
    %swap3A_78 = tpu.vector_load %arg8[%swap3A_77] {strides = array<i32>} : memref<2048xf32, #tpu.memory_space<vmem>>, vector<16xf32>,
    tpu.vector_store %arg8[%swap3A_77], %broadcast_in_dim3A_3 {strides = array<i32>} : memref<2048xf32, #tpu.memory_space<vmem>>, vector<16xf32>,
    %swap3A_79 = arith.constant 288 : index
    %swap3A_80 = tpu.vector_load %arg9[%swap3A_79] {strides = array<i32>} : memref<2048xf32, #tpu.memory_space<vmem>>, vector<16xf32>,
    tpu.vector_store %arg9[%swap3A_79], %broadcast_in_dim3A_3 {strides = array<i32>} : memref<2048xf32, #tpu.memory_space<vmem>>, vector<16xf32>,
    %swap3A_81 = arith.constant 304 : index
    %swap3A_82 = tpu.vector_load %arg8[%swap3A_81] {strides = array<i32>} : memref<2048xf32, #tpu.memory_space<vmem>>, vector<16xf32>,
    tpu.vector_store %arg8[%swap3A_81], %broadcast_in_dim3A_3 {strides = array<i32>} : memref<2048xf32, #tpu.memory_space<vmem>>, vector<16xf32>,
    %swap3A_83 = arith.constant 304 : index
    %swap3A_84 = tpu.vector_load %arg9[%swap3A_83] {strides = array<i32>} : memref<2048xf32, #tpu.memory_space<vmem>>, vector<16xf32>,
    tpu.vector_store %arg9[%swap3A_83], %broadcast_in_dim3A_3 {strides = array<i32>} : memref<2048xf32, #tpu.memory_space<vmem>>, vector<16xf32>,
    %swap3A_85 = arith.constant 320 : index
    %swap3A_86 = tpu.vector_load %arg8[%swap3A_85] {strides = array<i32>} : memref<2048xf32, #tpu.memory_space<vmem>>, vector<16xf32>,
    tpu.vector_store %arg8[%swap3A_85], %broadcast_in_dim3A_3 {strides = array<i32>} : memref<2048xf32, #tpu.memory_space<vmem>>, vector<16xf32>,
    %swap3A_87 = arith.constant 320 : index
    %swap3A_88 = tpu.vector_load %arg9[%swap3A_87] {strides = array<i32>} : memref<2048xf32, #tpu.memory_space<vmem>>, vector<16xf32>,
    tpu.vector_store %arg9[%swap3A_87], %broadcast_in_dim3A_3 {strides = array<i32>} : memref<2048xf32, #tpu.memory_space<vmem>>, vector<16xf32>,
    %swap3A_89 = arith.constant 336 : index
    %swap3A_90 = tpu.vector_load %arg8[%swap3A_89] {strides = array<i32>} : memref<2048xf32, #tpu.memory_space<vmem>>, vector<16xf32>,
    tpu.vector_store %arg8[%swap3A_89], %broadcast_in_dim3A_3 {strides = array<i32>} : memref<2048xf32, #tpu.memory_space<vmem>>, vector<16xf32>,
    %swap3A_91 = arith.constant 336 : index
    %swap3A_92 = tpu.vector_load %arg9[%swap3A_91] {strides = array<i32>} : memref<2048xf32, #tpu.memory_space<vmem>>, vector<16xf32>,
    tpu.vector_store %arg9[%swap3A_91], %broadcast_in_dim3A_3 {strides = array<i32>} : memref<2048xf32, #tpu.memory_space<vmem>>, vector<16xf32>,
    %swap3A_93 = arith.constant 352 : index
    %swap3A_94 = tpu.vector_load %arg8[%swap3A_93] {strides = array<i32>} : memref<2048xf32, #tpu.memory_space<vmem>>, vector<16xf32>,
    tpu.vector_store %arg8[%swap3A_93], %broadcast_in_dim3A_3 {strides = array<i32>} : memref<2048xf32, #tpu.memory_space<vmem>>, vector<16xf32>,
    %swap3A_95 = arith.constant 352 : index
    %swap3A_96 = tpu.vector_load %arg9[%swap3A_95] {strides = array<i32>} : memref<2048xf32, #tpu.memory_space<vmem>>, vector<16xf32>,
    tpu.vector_store %arg9[%swap3A_95], %broadcast_in_dim3A_3 {strides = array<i32>} : memref<2048xf32, #tpu.memory_space<vmem>>, vector<16xf32>,
    %swap3A_97 = arith.constant 368 : index
    %swap3A_98 = tpu.vector_load %arg8[%swap3A_97] {strides = array<i32>} : memref<2048xf32, #tpu.memory_space<vmem>>, vector<16xf32>,
    tpu.vector_store %arg8[%swap3A_97], %broadcast_in_dim3A_3 {strides = array<i32>} : memref<2048xf32, #tpu.memory_space<vmem>>, vector<16xf32>,
    %swap3A_99 = arith.constant 368 : index
    %swap3A_100 = tpu.vector_load %arg9[%swap3A_99] {strides = array<i32>} : memref<2048xf32, #tpu.memory_space<vmem>>, vector<16xf32>,
    tpu.vector_store %arg9[%swap3A_99], %broadcast_in_dim3A_3 {strides = array<i32>} : memref<2048xf32, #tpu.memory_space<vmem>>, vector<16xf32>,
    %swap3A_101 = arith.constant 384 : index
    %swap3A_102 = tpu.vector_load %arg8[%swap3A_101] {strides = array<i32>} : memref<2048xf32, #tpu.memory_space<vmem>>, vector<16xf32>,
    tpu.vector_store %arg8[%swap3A_101], %broadcast_in_dim3A_3 {strides = array<i32>} : memref<2048xf32, #tpu.memory_space<vmem>>, vector<16xf32>,
    %swap3A_103 = arith.constant 384 : index
    %swap3A_104 = tpu.vector_load %arg9[%swap3A_103] {strides = array<i32>} : memref<2048xf32, #tpu.memory_space<vmem>>, vector<16xf32>,
    tpu.vector_store %arg9[%swap3A_103], %broadcast_in_dim3A_3 {strides = array<i32>} : memref<2048xf32, #tpu.memory_space<vmem>>, vector<16xf32>,
    %swap3A_105 = arith.constant 400 : index
    %swap3A_106 = tpu.vector_load %arg8[%swap3A_105] {strides = array<i32>} : memref<2048xf32, #tpu.memory_space<vmem>>, vector<16xf32>,
    tpu.vector_store %arg8[%swap3A_105], %broadcast_in_dim3A_3 {strides = array<i32>} : memref<2048xf32, #tpu.memory_space<vmem>>, vector<16xf32>,
    %swap3A_107 = arith.constant 400 : index
    %swap3A_108 = tpu.vector_load %arg9[%swap3A_107] {strides = array<i32>} : memref<2048xf32, #tpu.memory_space<vmem>>, vector<16xf32>,
    tpu.vector_store %arg9[%swap3A_107], %broadcast_in_dim3A_3 {strides = array<i32>} : memref<2048xf32, #tpu.memory_space<vmem>>, vector<16xf32>,
    %swap3A_109 = arith.constant 416 : index
    %swap3A_110 = tpu.vector_load %arg8[%swap3A_109] {strides = array<i32>} : memref<2048xf32, #tpu.memory_space<vmem>>, vector<16xf32>,
    tpu.vector_store %arg8[%swap3A_109], %broadcast_in_dim3A_3 {strides = array<i32>} : memref<2048xf32, #tpu.memory_space<vmem>>, vector<16xf32>,
    %swap3A_111 = arith.constant 416 : index
    %swap3A_112 = tpu.vector_load %arg9[%swap3A_111] {strides = array<i32>} : memref<2048xf32, #tpu.memory_space<vmem>>, vector<16xf32>,
    tpu.vector_store %arg9[%swap3A_111], %broadcast_in_dim3A_3 {strides = array<i32>} : memref<2048xf32, #tpu.memory_space<vmem>>, vector<16xf32>,
    %swap3A_113 = arith.constant 432 : index
    %swap3A_114 = tpu.vector_load %arg8[%swap3A_113] {strides = array<i32>} : memref<2048xf32, #tpu.memory_space<vmem>>, vector<16xf32>,
    tpu.vector_store %arg8[%swap3A_113], %broadcast_in_dim3A_3 {strides = array<i32>} : memref<2048xf32, #tpu.memory_space<vmem>>, vector<16xf32>,
    %swap3A_115 = arith.constant 432 : index
    %swap3A_116 = tpu.vector_load %arg9[%swap3A_115] {strides = array<i32>} : memref<2048xf32, #tpu.memory_space<vmem>>, vector<16xf32>,
    tpu.vector_store %arg9[%swap3A_115], %broadcast_in_dim3A_3 {strides = array<i32>} : memref<2048xf32, #tpu.memory_space<vmem>>, vector<16xf32>,
    %swap3A_117 = arith.constant 448 : index
    %swap3A_118 = tpu.vector_load %arg8[%swap3A_117] {strides = array<i32>} : memref<2048xf32, #tpu.memory_space<vmem>>, vector<16xf32>,
    tpu.vector_store %arg8[%swap3A_117], %broadcast_in_dim3A_3 {strides = array<i32>} : memref<2048xf32, #tpu.memory_space<vmem>>, vector<16xf32>,
    %swap3A_119 = arith.constant 448 : index
    %swap3A_120 = tpu.vector_load %arg9[%swap3A_119] {strides = array<i32>} : memref<2048xf32, #tpu.memory_space<vmem>>, vector<16xf32>,
    tpu.vector_store %arg9[%swap3A_119], %broadcast_in_dim3A_3 {strides = array<i32>} : memref<2048xf32, #tpu.memory_space<vmem>>, vector<16xf32>,
    %swap3A_121 = arith.constant 464 : index
    %swap3A_122 = tpu.vector_load %arg8[%swap3A_121] {strides = array<i32>} : memref<2048xf32, #tpu.memory_space<vmem>>, vector<16xf32>,
    tpu.vector_store %arg8[%swap3A_121], %broadcast_in_dim3A_3 {strides = array<i32>} : memref<2048xf32, #tpu.memory_space<vmem>>, vector<16xf32>,
    %swap3A_123 = arith.constant 464 : index
    %swap3A_124 = tpu.vector_load %arg9[%swap3A_123] {strides = array<i32>} : memref<2048xf32, #tpu.memory_space<vmem>>, vector<16xf32>,
    tpu.vector_store %arg9[%swap3A_123], %broadcast_in_dim3A_3 {strides = array<i32>} : memref<2048xf32, #tpu.memory_space<vmem>>, vector<16xf32>,
    %swap3A_125 = arith.constant 480 : index
    %swap3A_126 = tpu.vector_load %arg8[%swap3A_125] {strides = array<i32>} : memref<2048xf32, #tpu.memory_space<vmem>>, vector<16xf32>,
    tpu.vector_store %arg8[%swap3A_125], %broadcast_in_dim3A_3 {strides = array<i32>} : memref<2048xf32, #tpu.memory_space<vmem>>, vector<16xf32>,
    %swap3A_127 = arith.constant 480 : index
    %swap3A_128 = tpu.vector_load %arg9[%swap3A_127] {strides = array<i32>} : memref<2048xf32, #tpu.memory_space<vmem>>, vector<16xf32>,
    tpu.vector_store %arg9[%swap3A_127], %broadcast_in_dim3A_3 {strides = array<i32>} : memref<2048xf32, #tpu.memory_space<vmem>>, vector<16xf32>,
    %swap3A_129 = arith.constant 496 : index
    %swap3A_130 = tpu.vector_load %arg8[%swap3A_129] {strides = array<i32>} : memref<2048xf32, #tpu.memory_space<vmem>>, vector<16xf32>,
    tpu.vector_store %arg8[%swap3A_129], %broadcast_in_dim3A_3 {strides = array<i32>} : memref<2048xf32, #tpu.memory_space<vmem>>, vector<16xf32>,
    %swap3A_131 = arith.constant 496 : index
    %swap3A_132 = tpu.vector_load %arg9[%swap3A_131] {strides = array<i32>} : memref<2048xf32, #tpu.memory_space<vmem>>, vector<16xf32>,
    tpu.vector_store %arg9[%swap3A_131], %broadcast_in_dim3A_3 {strides = array<i32>} : memref<2048xf32, #tpu.memory_space<vmem>>, vector<16xf32>,
    %swap3A_133 = arith.constant 512 : index
    %swap3A_134 = tpu.vector_load %arg8[%swap3A_133] {strides = array<i32>} : memref<2048xf32, #tpu.memory_space<vmem>>, vector<16xf32>,
    tpu.vector_store %arg8[%swap3A_133], %broadcast_in_dim3A_3 {strides = array<i32>} : memref<2048xf32, #tpu.memory_space<vmem>>, vector<16xf32>,
    %swap3A_135 = arith.constant 512 : index
    %swap3A_136 = tpu.vector_load %arg9[%swap3A_135] {strides = array<i32>} : memref<2048xf32, #tpu.memory_space<vmem>>, vector<16xf32>,
    tpu.vector_store %arg9[%swap3A_135], %broadcast_in_dim3A_3 {strides = array<i32>} : memref<2048xf32, #tpu.memory_space<vmem>>, vector<16xf32>,
    %swap3A_137 = arith.constant 528 : index
    %swap3A_138 = tpu.vector_load %arg8[%swap3A_137] {strides = array<i32>} : memref<2048xf32, #tpu.memory_space<vmem>>, vector<16xf32>,
    tpu.vector_store %arg8[%swap3A_137], %broadcast_in_dim3A_3 {strides = array<i32>} : memref<2048xf32, #tpu.memory_space<vmem>>, vector<16xf32>,
    %swap3A_139 = arith.constant 528 : index
    %swap3A_140 = tpu.vector_load %arg9[%swap3A_139] {strides = array<i32>} : memref<2048xf32, #tpu.memory_space<vmem>>, vector<16xf32>,
    tpu.vector_store %arg9[%swap3A_139], %broadcast_in_dim3A_3 {strides = array<i32>} : memref<2048xf32, #tpu.memory_space<vmem>>, vector<16xf32>,
    %swap3A_141 = arith.constant 544 : index
    %swap3A_142 = tpu.vector_load %arg8[%swap3A_141] {strides = array<i32>} : memref<2048xf32, #tpu.memory_space<vmem>>, vector<16xf32>,
    tpu.vector_store %arg8[%swap3A_141], %broadcast_in_dim3A_3 {strides = array<i32>} : memref<2048xf32, #tpu.memory_space<vmem>>, vector<16xf32>,
    %swap3A_143 = arith.constant 544 : index
    %swap3A_144 = tpu.vector_load %arg9[%swap3A_143] {strides = array<i32>} : memref<2048xf32, #tpu.memory_space<vmem>>, vector<16xf32>,
    tpu.vector_store %arg9[%swap3A_143], %broadcast_in_dim3A_3 {strides = array<i32>} : memref<2048xf32, #tpu.memory_space<vmem>>, vector<16xf32>,
    %swap3A_145 = arith.constant 560 : index
    %swap3A_146 = tpu.vector_load %arg8[%swap3A_145] {strides = array<i32>} : memref<2048xf32, #tpu.memory_space<vmem>>, vector<16xf32>,
    tpu.vector_store %arg8[%swap3A_145], %broadcast_in_dim3A_3 {strides = array<i32>} : memref<2048xf32, #tpu.memory_space<vmem>>, vector<16xf32>,
    %swap3A_147 = arith.constant 560 : index
    %swap3A_148 = tpu.vector_load %arg9[%swap3A_147] {strides = array<i32>} : memref<2048xf32, #tpu.memory_space<vmem>>, vector<16xf32>,
    tpu.vector_store %arg9[%swap3A_147], %broadcast_in_dim3A_3 {strides = array<i32>} : memref<2048xf32, #tpu.memory_space<vmem>>, vector<16xf32>,
    %swap3A_149 = arith.constant 576 : index
    %swap3A_150 = tpu.vector_load %arg8[%swap3A_149] {strides = array<i32>} : memref<2048xf32, #tpu.memory_space<vmem>>, vector<16xf32>,
    tpu.vector_store %arg8[%swap3A_149], %broadcast_in_dim3A_3 {strides = array<i32>} : memref<2048xf32, #tpu.memory_space<vmem>>, vector<16xf32>,
    %swap3A_151 = arith.constant 576 : index
    %swap3A_152 = tpu.vector_load %arg9[%swap3A_151] {strides = array<i32>} : memref<2048xf32, #tpu.memory_space<vmem>>, vector<16xf32>,
    tpu.vector_store %arg9[%swap3A_151], %broadcast_in_dim3A_3 {strides = array<i32>} : memref<2048xf32, #tpu.memory_space<vmem>>, vector<16xf32>,
    %swap3A_153 = arith.constant 592 : index
    %swap3A_154 = tpu.vector_load %arg8[%swap3A_153] {strides = array<i32>} : memref<2048xf32, #tpu.memory_space<vmem>>, vector<16xf32>,
    tpu.vector_store %arg8[%swap3A_153], %broadcast_in_dim3A_3 {strides = array<i32>} : memref<2048xf32, #tpu.memory_space<vmem>>, vector<16xf32>,
    %swap3A_155 = arith.constant 592 : index
    %swap3A_156 = tpu.vector_load %arg9[%swap3A_155] {strides = array<i32>} : memref<2048xf32, #tpu.memory_space<vmem>>, vector<16xf32>,
    tpu.vector_store %arg9[%swap3A_155], %broadcast_in_dim3A_3 {strides = array<i32>} : memref<2048xf32, #tpu.memory_space<vmem>>, vector<16xf32>,
    %swap3A_157 = arith.constant 608 : index
    %swap3A_158 = tpu.vector_load %arg8[%swap3A_157] {strides = array<i32>} : memref<2048xf32, #tpu.memory_space<vmem>>, vector<16xf32>,
    tpu.vector_store %arg8[%swap3A_157], %broadcast_in_dim3A_3 {strides = array<i32>} : memref<2048xf32, #tpu.memory_space<vmem>>, vector<16xf32>,
    %swap3A_159 = arith.constant 608 : index
    %swap3A_160 = tpu.vector_load %arg9[%swap3A_159] {strides = array<i32>} : memref<2048xf32, #tpu.memory_space<vmem>>, vector<16xf32>,
    tpu.vector_store %arg9[%swap3A_159], %broadcast_in_dim3A_3 {strides = array<i32>} : memref<2048xf32, #tpu.memory_space<vmem>>, vector<16xf32>,
    %swap3A_161 = arith.constant 624 : index
    %swap3A_162 = tpu.vector_load %arg8[%swap3A_161] {strides = array<i32>} : memref<2048xf32, #tpu.memory_space<vmem>>, vector<16xf32>,
    tpu.vector_store %arg8[%swap3A_161], %broadcast_in_dim3A_3 {strides = array<i32>} : memref<2048xf32, #tpu.memory_space<vmem>>, vector<16xf32>,
    %swap3A_163 = arith.constant 624 : index
    %swap3A_164 = tpu.vector_load %arg9[%swap3A_163] {strides = array<i32>} : memref<2048xf32, #tpu.memory_space<vmem>>, vector<16xf32>,
    tpu.vector_store %arg9[%swap3A_163], %broadcast_in_dim3A_3 {strides = array<i32>} : memref<2048xf32, #tpu.memory_space<vmem>>, vector<16xf32>,
    %swap3A_165 = arith.constant 640 : index
    %swap3A_166 = tpu.vector_load %arg8[%swap3A_165] {strides = array<i32>} : memref<2048xf32, #tpu.memory_space<vmem>>, vector<16xf32>,
    tpu.vector_store %arg8[%swap3A_165], %broadcast_in_dim3A_3 {strides = array<i32>} : memref<2048xf32, #tpu.memory_space<vmem>>, vector<16xf32>,
    %swap3A_167 = arith.constant 640 : index
    %swap3A_168 = tpu.vector_load %arg9[%swap3A_167] {strides = array<i32>} : memref<2048xf32, #tpu.memory_space<vmem>>, vector<16xf32>,
    tpu.vector_store %arg9[%swap3A_167], %broadcast_in_dim3A_3 {strides = array<i32>} : memref<2048xf32, #tpu.memory_space<vmem>>, vector<16xf32>,
    %swap3A_169 = arith.constant 656 : index
    %swap3A_170 = tpu.vector_load %arg8[%swap3A_169] {strides = array<i32>} : memref<2048xf32, #tpu.memory_space<vmem>>, vector<16xf32>,
    tpu.vector_store %arg8[%swap3A_169], %broadcast_in_dim3A_3 {strides = array<i32>} : memref<2048xf32, #tpu.memory_space<vmem>>, vector<16xf32>,
    %swap3A_171 = arith.constant 656 : index
    %swap3A_172 = tpu.vector_load %arg9[%swap3A_171] {strides = array<i32>} : memref<2048xf32, #tpu.memory_space<vmem>>, vector<16xf32>,
    tpu.vector_store %arg9[%swap3A_171], %broadcast_in_dim3A_3 {strides = array<i32>} : memref<2048xf32, #tpu.memory_space<vmem>>, vector<16xf32>,
    %swap3A_173 = arith.constant 672 : index
    %swap3A_174 = tpu.vector_load %arg8[%swap3A_173] {strides = array<i32>} : memref<2048xf32, #tpu.memory_space<vmem>>, vector<16xf32>,
    tpu.vector_store %arg8[%swap3A_173], %broadcast_in_dim3A_3 {strides = array<i32>} : memref<2048xf32, #tpu.memory_space<vmem>>, vector<16xf32>,
    %swap3A_175 = arith.constant 672 : index
    %swap3A_176 = tpu.vector_load %arg9[%swap3A_175] {strides = array<i32>} : memref<2048xf32, #tpu.memory_space<vmem>>, vector<16xf32>,
    tpu.vector_store %arg9[%swap3A_175], %broadcast_in_dim3A_3 {strides = array<i32>} : memref<2048xf32, #tpu.memory_space<vmem>>, vector<16xf32>,
    %swap3A_177 = arith.constant 688 : index
    %swap3A_178 = tpu.vector_load %arg8[%swap3A_177] {strides = array<i32>} : memref<2048xf32, #tpu.memory_space<vmem>>, vector<16xf32>,
    tpu.vector_store %arg8[%swap3A_177], %broadcast_in_dim3A_3 {strides = array<i32>} : memref<2048xf32, #tpu.memory_space<vmem>>, vector<16xf32>,
    %swap3A_179 = arith.constant 688 : index
    %swap3A_180 = tpu.vector_load %arg9[%swap3A_179] {strides = array<i32>} : memref<2048xf32, #tpu.memory_space<vmem>>, vector<16xf32>,
    tpu.vector_store %arg9[%swap3A_179], %broadcast_in_dim3A_3 {strides = array<i32>} : memref<2048xf32, #tpu.memory_space<vmem>>, vector<16xf32>,
    %swap3A_181 = arith.constant 704 : index
    %swap3A_182 = tpu.vector_load %arg8[%swap3A_181] {strides = array<i32>} : memref<2048xf32, #tpu.memory_space<vmem>>, vector<16xf32>,
    tpu.vector_store %arg8[%swap3A_181], %broadcast_in_dim3A_3 {strides = array<i32>} : memref<2048xf32, #tpu.memory_space<vmem>>, vector<16xf32>,
    %swap3A_183 = arith.constant 704 : index
    %swap3A_184 = tpu.vector_load %arg9[%swap3A_183] {strides = array<i32>} : memref<2048xf32, #tpu.memory_space<vmem>>, vector<16xf32>,
    tpu.vector_store %arg9[%swap3A_183], %broadcast_in_dim3A_3 {strides = array<i32>} : memref<2048xf32, #tpu.memory_space<vmem>>, vector<16xf32>,
    %swap3A_185 = arith.constant 720 : index
    %swap3A_186 = tpu.vector_load %arg8[%swap3A_185] {strides = array<i32>} : memref<2048xf32, #tpu.memory_space<vmem>>, vector<16xf32>,
    tpu.vector_store %arg8[%swap3A_185], %broadcast_in_dim3A_3 {strides = array<i32>} : memref<2048xf32, #tpu.memory_space<vmem>>, vector<16xf32>,
    %swap3A_187 = arith.constant 720 : index
    %swap3A_188 = tpu.vector_load %arg9[%swap3A_187] {strides = array<i32>} : memref<2048xf32, #tpu.memory_space<vmem>>, vector<16xf32>,
    tpu.vector_store %arg9[%swap3A_187], %broadcast_in_dim3A_3 {strides = array<i32>} : memref<2048xf32, #tpu.memory_space<vmem>>, vector<16xf32>,
    %swap3A_189 = arith.constant 736 : index
    %swap3A_190 = tpu.vector_load %arg8[%swap3A_189] {strides = array<i32>} : memref<2048xf32, #tpu.memory_space<vmem>>, vector<16xf32>,
    tpu.vector_store %arg8[%swap3A_189], %broadcast_in_dim3A_3 {strides = array<i32>} : memref<2048xf32, #tpu.memory_space<vmem>>, vector<16xf32>,
    %swap3A_191 = arith.constant 736 : index
    %swap3A_192 = tpu.vector_load %arg9[%swap3A_191] {strides = array<i32>} : memref<2048xf32, #tpu.memory_space<vmem>>, vector<16xf32>,
    tpu.vector_store %arg9[%swap3A_191], %broadcast_in_dim3A_3 {strides = array<i32>} : memref<2048xf32, #tpu.memory_space<vmem>>, vector<16xf32>,
    %swap3A_193 = arith.constant 752 : index
    %swap3A_194 = tpu.vector_load %arg8[%swap3A_193] {strides = array<i32>} : memref<2048xf32, #tpu.memory_space<vmem>>, vector<16xf32>,
    tpu.vector_store %arg8[%swap3A_193], %broadcast_in_dim3A_3 {strides = array<i32>} : memref<2048xf32, #tpu.memory_space<vmem>>, vector<16xf32>,
    %swap3A_195 = arith.constant 752 : index
    %swap3A_196 = tpu.vector_load %arg9[%swap3A_195] {strides = array<i32>} : memref<2048xf32, #tpu.memory_space<vmem>>, vector<16xf32>,
    tpu.vector_store %arg9[%swap3A_195], %broadcast_in_dim3A_3 {strides = array<i32>} : memref<2048xf32, #tpu.memory_space<vmem>>, vector<16xf32>,
    %swap3A_197 = arith.constant 768 : index
    %swap3A_198 = tpu.vector_load %arg8[%swap3A_197] {strides = array<i32>} : memref<2048xf32, #tpu.memory_space<vmem>>, vector<16xf32>,
    tpu.vector_store %arg8[%swap3A_197], %broadcast_in_dim3A_3 {strides = array<i32>} : memref<2048xf32, #tpu.memory_space<vmem>>, vector<16xf32>,
    %swap3A_199 = arith.constant 768 : index
    %swap3A_200 = tpu.vector_load %arg9[%swap3A_199] {strides = array<i32>} : memref<2048xf32, #tpu.memory_space<vmem>>, vector<16xf32>,
    tpu.vector_store %arg9[%swap3A_199], %broadcast_in_dim3A_3 {strides = array<i32>} : memref<2048xf32, #tpu.memory_space<vmem>>, vector<16xf32>,
    %swap3A_201 = arith.constant 784 : index
    %swap3A_202 = tpu.vector_load %arg8[%swap3A_201] {strides = array<i32>} : memref<2048xf32, #tpu.memory_space<vmem>>, vector<16xf32>,
    tpu.vector_store %arg8[%swap3A_201], %broadcast_in_dim3A_3 {strides = array<i32>} : memref<2048xf32, #tpu.memory_space<vmem>>, vector<16xf32>,
    %swap3A_203 = arith.constant 784 : index
    %swap3A_204 = tpu.vector_load %arg9[%swap3A_203] {strides = array<i32>} : memref<2048xf32, #tpu.memory_space<vmem>>, vector<16xf32>,
    tpu.vector_store %arg9[%swap3A_203], %broadcast_in_dim3A_3 {strides = array<i32>} : memref<2048xf32, #tpu.memory_space<vmem>>, vector<16xf32>,
    %swap3A_205 = arith.constant 800 : index
    %swap3A_206 = tpu.vector_load %arg8[%swap3A_205] {strides = array<i32>} : memref<2048xf32, #tpu.memory_space<vmem>>, vector<16xf32>,
    tpu.vector_store %arg8[%swap3A_205], %broadcast_in_dim3A_3 {strides = array<i32>} : memref<2048xf32, #tpu.memory_space<vmem>>, vector<16xf32>,
    %swap3A_207 = arith.constant 800 : index
    %swap3A_208 = tpu.vector_load %arg9[%swap3A_207] {strides = array<i32>} : memref<2048xf32, #tpu.memory_space<vmem>>, vector<16xf32>,
    tpu.vector_store %arg9[%swap3A_207], %broadcast_in_dim3A_3 {strides = array<i32>} : memref<2048xf32, #tpu.memory_space<vmem>>, vector<16xf32>,
    %swap3A_209 = arith.constant 816 : index
    %swap3A_210 = tpu.vector_load %arg8[%swap3A_209] {strides = array<i32>} : memref<2048xf32, #tpu.memory_space<vmem>>, vector<16xf32>,
    tpu.vector_store %arg8[%swap3A_209], %broadcast_in_dim3A_3 {strides = array<i32>} : memref<2048xf32, #tpu.memory_space<vmem>>, vector<16xf32>,
    %swap3A_211 = arith.constant 816 : index
    %swap3A_212 = tpu.vector_load %arg9[%swap3A_211] {strides = array<i32>} : memref<2048xf32, #tpu.memory_space<vmem>>, vector<16xf32>,
    tpu.vector_store %arg9[%swap3A_211], %broadcast_in_dim3A_3 {strides = array<i32>} : memref<2048xf32, #tpu.memory_space<vmem>>, vector<16xf32>,
    %swap3A_213 = arith.constant 832 : index
    %swap3A_214 = tpu.vector_load %arg8[%swap3A_213] {strides = array<i32>} : memref<2048xf32, #tpu.memory_space<vmem>>, vector<16xf32>,
    tpu.vector_store %arg8[%swap3A_213], %broadcast_in_dim3A_3 {strides = array<i32>} : memref<2048xf32, #tpu.memory_space<vmem>>, vector<16xf32>,
    %swap3A_215 = arith.constant 832 : index
    %swap3A_216 = tpu.vector_load %arg9[%swap3A_215] {strides = array<i32>} : memref<2048xf32, #tpu.memory_space<vmem>>, vector<16xf32>,
    tpu.vector_store %arg9[%swap3A_215], %broadcast_in_dim3A_3 {strides = array<i32>} : memref<2048xf32, #tpu.memory_space<vmem>>, vector<16xf32>,
    %swap3A_217 = arith.constant 848 : index
    %swap3A_218 = tpu.vector_load %arg8[%swap3A_217] {strides = array<i32>} : memref<2048xf32, #tpu.memory_space<vmem>>, vector<16xf32>,
    tpu.vector_store %arg8[%swap3A_217], %broadcast_in_dim3A_3 {strides = array<i32>} : memref<2048xf32, #tpu.memory_space<vmem>>, vector<16xf32>,
    %swap3A_219 = arith.constant 848 : index
    %swap3A_220 = tpu.vector_load %arg9[%swap3A_219] {strides = array<i32>} : memref<2048xf32, #tpu.memory_space<vmem>>, vector<16xf32>,
    tpu.vector_store %arg9[%swap3A_219], %broadcast_in_dim3A_3 {strides = array<i32>} : memref<2048xf32, #tpu.memory_space<vmem>>, vector<16xf32>,
    %swap3A_221 = arith.constant 864 : index
    %swap3A_222 = tpu.vector_load %arg8[%swap3A_221] {strides = array<i32>} : memref<2048xf32, #tpu.memory_space<vmem>>, vector<16xf32>,
    tpu.vector_store %arg8[%swap3A_221], %broadcast_in_dim3A_3 {strides = array<i32>} : memref<2048xf32, #tpu.memory_space<vmem>>, vector<16xf32>,
    %swap3A_223 = arith.constant 864 : index
    %swap3A_224 = tpu.vector_load %arg9[%swap3A_223] {strides = array<i32>} : memref<2048xf32, #tpu.memory_space<vmem>>, vector<16xf32>,
    tpu.vector_store %arg9[%swap3A_223], %broadcast_in_dim3A_3 {strides = array<i32>} : memref<2048xf32, #tpu.memory_space<vmem>>, vector<16xf32>,
    %swap3A_225 = arith.constant 880 : index
    %swap3A_226 = tpu.vector_load %arg8[%swap3A_225] {strides = array<i32>} : memref<2048xf32, #tpu.memory_space<vmem>>, vector<16xf32>,
    tpu.vector_store %arg8[%swap3A_225], %broadcast_in_dim3A_3 {strides = array<i32>} : memref<2048xf32, #tpu.memory_space<vmem>>, vector<16xf32>,
    %swap3A_227 = arith.constant 880 : index
    %swap3A_228 = tpu.vector_load %arg9[%swap3A_227] {strides = array<i32>} : memref<2048xf32, #tpu.memory_space<vmem>>, vector<16xf32>,
    tpu.vector_store %arg9[%swap3A_227], %broadcast_in_dim3A_3 {strides = array<i32>} : memref<2048xf32, #tpu.memory_space<vmem>>, vector<16xf32>,
    %swap3A_229 = arith.constant 896 : index
    %swap3A_230 = tpu.vector_load %arg8[%swap3A_229] {strides = array<i32>} : memref<2048xf32, #tpu.memory_space<vmem>>, vector<16xf32>,
    tpu.vector_store %arg8[%swap3A_229], %broadcast_in_dim3A_3 {strides = array<i32>} : memref<2048xf32, #tpu.memory_space<vmem>>, vector<16xf32>,
    %swap3A_231 = arith.constant 896 : index
    %swap3A_232 = tpu.vector_load %arg9[%swap3A_231] {strides = array<i32>} : memref<2048xf32, #tpu.memory_space<vmem>>, vector<16xf32>,
    tpu.vector_store %arg9[%swap3A_231], %broadcast_in_dim3A_3 {strides = array<i32>} : memref<2048xf32, #tpu.memory_space<vmem>>, vector<16xf32>,
    %swap3A_233 = arith.constant 912 : index
    %swap3A_234 = tpu.vector_load %arg8[%swap3A_233] {strides = array<i32>} : memref<2048xf32, #tpu.memory_space<vmem>>, vector<16xf32>,
    tpu.vector_store %arg8[%swap3A_233], %broadcast_in_dim3A_3 {strides = array<i32>} : memref<2048xf32, #tpu.memory_space<vmem>>, vector<16xf32>,
    %swap3A_235 = arith.constant 912 : index
    %swap3A_236 = tpu.vector_load %arg9[%swap3A_235] {strides = array<i32>} : memref<2048xf32, #tpu.memory_space<vmem>>, vector<16xf32>,
    tpu.vector_store %arg9[%swap3A_235], %broadcast_in_dim3A_3 {strides = array<i32>} : memref<2048xf32, #tpu.memory_space<vmem>>, vector<16xf32>,
    %swap3A_237 = arith.constant 928 : index
    %swap3A_238 = tpu.vector_load %arg8[%swap3A_237] {strides = array<i32>} : memref<2048xf32, #tpu.memory_space<vmem>>, vector<16xf32>,
    tpu.vector_store %arg8[%swap3A_237], %broadcast_in_dim3A_3 {strides = array<i32>} : memref<2048xf32, #tpu.memory_space<vmem>>, vector<16xf32>,
    %swap3A_239 = arith.constant 928 : index
    %swap3A_240 = tpu.vector_load %arg9[%swap3A_239] {strides = array<i32>} : memref<2048xf32, #tpu.memory_space<vmem>>, vector<16xf32>,
    tpu.vector_store %arg9[%swap3A_239], %broadcast_in_dim3A_3 {strides = array<i32>} : memref<2048xf32, #tpu.memory_space<vmem>>, vector<16xf32>,
    %swap3A_241 = arith.constant 944 : index
    %swap3A_242 = tpu.vector_load %arg8[%swap3A_241] {strides = array<i32>} : memref<2048xf32, #tpu.memory_space<vmem>>, vector<16xf32>,
    tpu.vector_store %arg8[%swap3A_241], %broadcast_in_dim3A_3 {strides = array<i32>} : memref<2048xf32, #tpu.memory_space<vmem>>, vector<16xf32>,
    %swap3A_243 = arith.constant 944 : index
    %swap3A_244 = tpu.vector_load %arg9[%swap3A_243] {strides = array<i32>} : memref<2048xf32, #tpu.memory_space<vmem>>, vector<16xf32>,
    tpu.vector_store %arg9[%swap3A_243], %broadcast_in_dim3A_3 {strides = array<i32>} : memref<2048xf32, #tpu.memory_space<vmem>>, vector<16xf32>,
    %swap3A_245 = arith.constant 960 : index
    %swap3A_246 = tpu.vector_load %arg8[%swap3A_245] {strides = array<i32>} : memref<2048xf32, #tpu.memory_space<vmem>>, vector<16xf32>,
    tpu.vector_store %arg8[%swap3A_245], %broadcast_in_dim3A_3 {strides = array<i32>} : memref<2048xf32, #tpu.memory_space<vmem>>, vector<16xf32>,
    %swap3A_247 = arith.constant 960 : index
    %swap3A_248 = tpu.vector_load %arg9[%swap3A_247] {strides = array<i32>} : memref<2048xf32, #tpu.memory_space<vmem>>, vector<16xf32>,
    tpu.vector_store %arg9[%swap3A_247], %broadcast_in_dim3A_3 {strides = array<i32>} : memref<2048xf32, #tpu.memory_space<vmem>>, vector<16xf32>,
    %swap3A_249 = arith.constant 976 : index
    %swap3A_250 = tpu.vector_load %arg8[%swap3A_249] {strides = array<i32>} : memref<2048xf32, #tpu.memory_space<vmem>>, vector<16xf32>,
    tpu.vector_store %arg8[%swap3A_249], %broadcast_in_dim3A_3 {strides = array<i32>} : memref<2048xf32, #tpu.memory_space<vmem>>, vector<16xf32>,
    %swap3A_251 = arith.constant 976 : index
    %swap3A_252 = tpu.vector_load %arg9[%swap3A_251] {strides = array<i32>} : memref<2048xf32, #tpu.memory_space<vmem>>, vector<16xf32>,
    tpu.vector_store %arg9[%swap3A_251], %broadcast_in_dim3A_3 {strides = array<i32>} : memref<2048xf32, #tpu.memory_space<vmem>>, vector<16xf32>,
    %swap3A_253 = arith.constant 992 : index
    %swap3A_254 = tpu.vector_load %arg8[%swap3A_253] {strides = array<i32>} : memref<2048xf32, #tpu.memory_space<vmem>>, vector<16xf32>,
    tpu.vector_store %arg8[%swap3A_253], %broadcast_in_dim3A_3 {strides = array<i32>} : memref<2048xf32, #tpu.memory_space<vmem>>, vector<16xf32>,
    %swap3A_255 = arith.constant 992 : index
    %swap3A_256 = tpu.vector_load %arg9[%swap3A_255] {strides = array<i32>} : memref<2048xf32, #tpu.memory_space<vmem>>, vector<16xf32>,
    tpu.vector_store %arg9[%swap3A_255], %broadcast_in_dim3A_3 {strides = array<i32>} : memref<2048xf32, #tpu.memory_space<vmem>>, vector<16xf32>,
    %swap3A_257 = arith.constant 1008 : index
    %swap3A_258 = tpu.vector_load %arg8[%swap3A_257] {strides = array<i32>} : memref<2048xf32, #tpu.memory_space<vmem>>, vector<16xf32>,
    tpu.vector_store %arg8[%swap3A_257], %broadcast_in_dim3A_3 {strides = array<i32>} : memref<2048xf32, #tpu.memory_space<vmem>>, vector<16xf32>,
    %swap3A_259 = arith.constant 1008 : index
    %swap3A_260 = tpu.vector_load %arg9[%swap3A_259] {strides = array<i32>} : memref<2048xf32, #tpu.memory_space<vmem>>, vector<16xf32>,
    tpu.vector_store %arg9[%swap3A_259], %broadcast_in_dim3A_3 {strides = array<i32>} : memref<2048xf32, #tpu.memory_space<vmem>>, vector<16xf32>,
    %swap3A_261 = arith.constant 1024 : index
    %swap3A_262 = tpu.vector_load %arg8[%swap3A_261] {strides = array<i32>} : memref<2048xf32, #tpu.memory_space<vmem>>, vector<16xf32>,
    tpu.vector_store %arg8[%swap3A_261], %broadcast_in_dim3A_3 {strides = array<i32>} : memref<2048xf32, #tpu.memory_space<vmem>>, vector<16xf32>,
    %swap3A_263 = arith.constant 1024 : index
    %swap3A_264 = tpu.vector_load %arg9[%swap3A_263] {strides = array<i32>} : memref<2048xf32, #tpu.memory_space<vmem>>, vector<16xf32>,
    tpu.vector_store %arg9[%swap3A_263], %broadcast_in_dim3A_3 {strides = array<i32>} : memref<2048xf32, #tpu.memory_space<vmem>>, vector<16xf32>,
    %swap3A_265 = arith.constant 1040 : index
    %swap3A_266 = tpu.vector_load %arg8[%swap3A_265] {strides = array<i32>} : memref<2048xf32, #tpu.memory_space<vmem>>, vector<16xf32>,
    tpu.vector_store %arg8[%swap3A_265], %broadcast_in_dim3A_3 {strides = array<i32>} : memref<2048xf32, #tpu.memory_space<vmem>>, vector<16xf32>,
    %swap3A_267 = arith.constant 1040 : index
    %swap3A_268 = tpu.vector_load %arg9[%swap3A_267] {strides = array<i32>} : memref<2048xf32, #tpu.memory_space<vmem>>, vector<16xf32>,
    tpu.vector_store %arg9[%swap3A_267], %broadcast_in_dim3A_3 {strides = array<i32>} : memref<2048xf32, #tpu.memory_space<vmem>>, vector<16xf32>,
    %swap3A_269 = arith.constant 1056 : index
    %swap3A_270 = tpu.vector_load %arg8[%swap3A_269] {strides = array<i32>} : memref<2048xf32, #tpu.memory_space<vmem>>, vector<16xf32>,
    tpu.vector_store %arg8[%swap3A_269], %broadcast_in_dim3A_3 {strides = array<i32>} : memref<2048xf32, #tpu.memory_space<vmem>>, vector<16xf32>,
    %swap3A_271 = arith.constant 1056 : index
    %swap3A_272 = tpu.vector_load %arg9[%swap3A_271] {strides = array<i32>} : memref<2048xf32, #tpu.memory_space<vmem>>, vector<16xf32>,
    tpu.vector_store %arg9[%swap3A_271], %broadcast_in_dim3A_3 {strides = array<i32>} : memref<2048xf32, #tpu.memory_space<vmem>>, vector<16xf32>,
    %swap3A_273 = arith.constant 1072 : index
    %swap3A_274 = tpu.vector_load %arg8[%swap3A_273] {strides = array<i32>} : memref<2048xf32, #tpu.memory_space<vmem>>, vector<16xf32>,
    tpu.vector_store %arg8[%swap3A_273], %broadcast_in_dim3A_3 {strides = array<i32>} : memref<2048xf32, #tpu.memory_space<vmem>>, vector<16xf32>,
    %swap3A_275 = arith.constant 1072 : index
    %swap3A_276 = tpu.vector_load %arg9[%swap3A_275] {strides = array<i32>} : memref<2048xf32, #tpu.memory_space<vmem>>, vector<16xf32>,
    tpu.vector_store %arg9[%swap3A_275], %broadcast_in_dim3A_3 {strides = array<i32>} : memref<2048xf32, #tpu.memory_space<vmem>>, vector<16xf32>,
    %swap3A_277 = arith.constant 1088 : index
    %swap3A_278 = tpu.vector_load %arg8[%swap3A_277] {strides = array<i32>} : memref<2048xf32, #tpu.memory_space<vmem>>, vector<16xf32>,
    tpu.vector_store %arg8[%swap3A_277], %broadcast_in_dim3A_3 {strides = array<i32>} : memref<2048xf32, #tpu.memory_space<vmem>>, vector<16xf32>,
    %swap3A_279 = arith.constant 1088 : index
    %swap3A_280 = tpu.vector_load %arg9[%swap3A_279] {strides = array<i32>} : memref<2048xf32, #tpu.memory_space<vmem>>, vector<16xf32>,
    tpu.vector_store %arg9[%swap3A_279], %broadcast_in_dim3A_3 {strides = array<i32>} : memref<2048xf32, #tpu.memory_space<vmem>>, vector<16xf32>,
    %swap3A_281 = arith.constant 1104 : index
    %swap3A_282 = tpu.vector_load %arg8[%swap3A_281] {strides = array<i32>} : memref<2048xf32, #tpu.memory_space<vmem>>, vector<16xf32>,
    tpu.vector_store %arg8[%swap3A_281], %broadcast_in_dim3A_3 {strides = array<i32>} : memref<2048xf32, #tpu.memory_space<vmem>>, vector<16xf32>,
    %swap3A_283 = arith.constant 1104 : index
    %swap3A_284 = tpu.vector_load %arg9[%swap3A_283] {strides = array<i32>} : memref<2048xf32, #tpu.memory_space<vmem>>, vector<16xf32>,
    tpu.vector_store %arg9[%swap3A_283], %broadcast_in_dim3A_3 {strides = array<i32>} : memref<2048xf32, #tpu.memory_space<vmem>>, vector<16xf32>,
    %swap3A_285 = arith.constant 1120 : index
    %swap3A_286 = tpu.vector_load %arg8[%swap3A_285] {strides = array<i32>} : memref<2048xf32, #tpu.memory_space<vmem>>, vector<16xf32>,
    tpu.vector_store %arg8[%swap3A_285], %broadcast_in_dim3A_3 {strides = array<i32>} : memref<2048xf32, #tpu.memory_space<vmem>>, vector<16xf32>,
    %swap3A_287 = arith.constant 1120 : index
    %swap3A_288 = tpu.vector_load %arg9[%swap3A_287] {strides = array<i32>} : memref<2048xf32, #tpu.memory_space<vmem>>, vector<16xf32>,
    tpu.vector_store %arg9[%swap3A_287], %broadcast_in_dim3A_3 {strides = array<i32>} : memref<2048xf32, #tpu.memory_space<vmem>>, vector<16xf32>,
    %swap3A_289 = arith.constant 1136 : index
    %swap3A_290 = tpu.vector_load %arg8[%swap3A_289] {strides = array<i32>} : memref<2048xf32, #tpu.memory_space<vmem>>, vector<16xf32>,
    tpu.vector_store %arg8[%swap3A_289], %broadcast_in_dim3A_3 {strides = array<i32>} : memref<2048xf32, #tpu.memory_space<vmem>>, vector<16xf32>,
    %swap3A_291 = arith.constant 1136 : index
    %swap3A_292 = tpu.vector_load %arg9[%swap3A_291] {strides = array<i32>} : memref<2048xf32, #tpu.memory_space<vmem>>, vector<16xf32>,
    tpu.vector_store %arg9[%swap3A_291], %broadcast_in_dim3A_3 {strides = array<i32>} : memref<2048xf32, #tpu.memory_space<vmem>>, vector<16xf32>,
    %swap3A_293 = arith.constant 1152 : index
    %swap3A_294 = tpu.vector_load %arg8[%swap3A_293] {strides = array<i32>} : memref<2048xf32, #tpu.memory_space<vmem>>, vector<16xf32>,
    tpu.vector_store %arg8[%swap3A_293], %broadcast_in_dim3A_3 {strides = array<i32>} : memref<2048xf32, #tpu.memory_space<vmem>>, vector<16xf32>,
    %swap3A_295 = arith.constant 1152 : index
    %swap3A_296 = tpu.vector_load %arg9[%swap3A_295] {strides = array<i32>} : memref<2048xf32, #tpu.memory_space<vmem>>, vector<16xf32>,
    tpu.vector_store %arg9[%swap3A_295], %broadcast_in_dim3A_3 {strides = array<i32>} : memref<2048xf32, #tpu.memory_space<vmem>>, vector<16xf32>,
    %swap3A_297 = arith.constant 1168 : index
    %swap3A_298 = tpu.vector_load %arg8[%swap3A_297] {strides = array<i32>} : memref<2048xf32, #tpu.memory_space<vmem>>, vector<16xf32>,
    tpu.vector_store %arg8[%swap3A_297], %broadcast_in_dim3A_3 {strides = array<i32>} : memref<2048xf32, #tpu.memory_space<vmem>>, vector<16xf32>,
    %swap3A_299 = arith.constant 1168 : index
    %swap3A_300 = tpu.vector_load %arg9[%swap3A_299] {strides = array<i32>} : memref<2048xf32, #tpu.memory_space<vmem>>, vector<16xf32>,
    tpu.vector_store %arg9[%swap3A_299], %broadcast_in_dim3A_3 {strides = array<i32>} : memref<2048xf32, #tpu.memory_space<vmem>>, vector<16xf32>,
    %swap3A_301 = arith.constant 1184 : index
    %swap3A_302 = tpu.vector_load %arg8[%swap3A_301] {strides = array<i32>} : memref<2048xf32, #tpu.memory_space<vmem>>, vector<16xf32>,
    tpu.vector_store %arg8[%swap3A_301], %broadcast_in_dim3A_3 {strides = array<i32>} : memref<2048xf32, #tpu.memory_space<vmem>>, vector<16xf32>,
    %swap3A_303 = arith.constant 1184 : index
    %swap3A_304 = tpu.vector_load %arg9[%swap3A_303] {strides = array<i32>} : memref<2048xf32, #tpu.memory_space<vmem>>, vector<16xf32>,
    tpu.vector_store %arg9[%swap3A_303], %broadcast_in_dim3A_3 {strides = array<i32>} : memref<2048xf32, #tpu.memory_space<vmem>>, vector<16xf32>,
    %swap3A_305 = arith.constant 1200 : index
    %swap3A_306 = tpu.vector_load %arg8[%swap3A_305] {strides = array<i32>} : memref<2048xf32, #tpu.memory_space<vmem>>, vector<16xf32>,
    tpu.vector_store %arg8[%swap3A_305], %broadcast_in_dim3A_3 {strides = array<i32>} : memref<2048xf32, #tpu.memory_space<vmem>>, vector<16xf32>,
    %swap3A_307 = arith.constant 1200 : index
    %swap3A_308 = tpu.vector_load %arg9[%swap3A_307] {strides = array<i32>} : memref<2048xf32, #tpu.memory_space<vmem>>, vector<16xf32>,
    tpu.vector_store %arg9[%swap3A_307], %broadcast_in_dim3A_3 {strides = array<i32>} : memref<2048xf32, #tpu.memory_space<vmem>>, vector<16xf32>,
    %swap3A_309 = arith.constant 1216 : index
    %swap3A_310 = tpu.vector_load %arg8[%swap3A_309] {strides = array<i32>} : memref<2048xf32, #tpu.memory_space<vmem>>, vector<16xf32>,
    tpu.vector_store %arg8[%swap3A_309], %broadcast_in_dim3A_3 {strides = array<i32>} : memref<2048xf32, #tpu.memory_space<vmem>>, vector<16xf32>,
    %swap3A_311 = arith.constant 1216 : index
    %swap3A_312 = tpu.vector_load %arg9[%swap3A_311] {strides = array<i32>} : memref<2048xf32, #tpu.memory_space<vmem>>, vector<16xf32>,
    tpu.vector_store %arg9[%swap3A_311], %broadcast_in_dim3A_3 {strides = array<i32>} : memref<2048xf32, #tpu.memory_space<vmem>>, vector<16xf32>,
    %swap3A_313 = arith.constant 1232 : index
    %swap3A_314 = tpu.vector_load %arg8[%swap3A_313] {strides = array<i32>} : memref<2048xf32, #tpu.memory_space<vmem>>, vector<16xf32>,
    tpu.vector_store %arg8[%swap3A_313], %broadcast_in_dim3A_3 {strides = array<i32>} : memref<2048xf32, #tpu.memory_space<vmem>>, vector<16xf32>,
    %swap3A_315 = arith.constant 1232 : index
    %swap3A_316 = tpu.vector_load %arg9[%swap3A_315] {strides = array<i32>} : memref<2048xf32, #tpu.memory_space<vmem>>, vector<16xf32>,
    tpu.vector_store %arg9[%swap3A_315], %broadcast_in_dim3A_3 {strides = array<i32>} : memref<2048xf32, #tpu.memory_space<vmem>>, vector<16xf32>,
    %swap3A_317 = arith.constant 1248 : index
    %swap3A_318 = tpu.vector_load %arg8[%swap3A_317] {strides = array<i32>} : memref<2048xf32, #tpu.memory_space<vmem>>, vector<16xf32>,
    tpu.vector_store %arg8[%swap3A_317], %broadcast_in_dim3A_3 {strides = array<i32>} : memref<2048xf32, #tpu.memory_space<vmem>>, vector<16xf32>,
    %swap3A_319 = arith.constant 1248 : index
    %swap3A_320 = tpu.vector_load %arg9[%swap3A_319] {strides = array<i32>} : memref<2048xf32, #tpu.memory_space<vmem>>, vector<16xf32>,
    tpu.vector_store %arg9[%swap3A_319], %broadcast_in_dim3A_3 {strides = array<i32>} : memref<2048xf32, #tpu.memory_space<vmem>>, vector<16xf32>,
    %swap3A_321 = arith.constant 1264 : index
    %swap3A_322 = tpu.vector_load %arg8[%swap3A_321] {strides = array<i32>} : memref<2048xf32, #tpu.memory_space<vmem>>, vector<16xf32>,
    tpu.vector_store %arg8[%swap3A_321], %broadcast_in_dim3A_3 {strides = array<i32>} : memref<2048xf32, #tpu.memory_space<vmem>>, vector<16xf32>,
    %swap3A_323 = arith.constant 1264 : index
    %swap3A_324 = tpu.vector_load %arg9[%swap3A_323] {strides = array<i32>} : memref<2048xf32, #tpu.memory_space<vmem>>, vector<16xf32>,
    tpu.vector_store %arg9[%swap3A_323], %broadcast_in_dim3A_3 {strides = array<i32>} : memref<2048xf32, #tpu.memory_space<vmem>>, vector<16xf32>,
    %swap3A_325 = arith.constant 1280 : index
    %swap3A_326 = tpu.vector_load %arg8[%swap3A_325] {strides = array<i32>} : memref<2048xf32, #tpu.memory_space<vmem>>, vector<16xf32>,
    tpu.vector_store %arg8[%swap3A_325], %broadcast_in_dim3A_3 {strides = array<i32>} : memref<2048xf32, #tpu.memory_space<vmem>>, vector<16xf32>,
    %swap3A_327 = arith.constant 1280 : index
    %swap3A_328 = tpu.vector_load %arg9[%swap3A_327] {strides = array<i32>} : memref<2048xf32, #tpu.memory_space<vmem>>, vector<16xf32>,
    tpu.vector_store %arg9[%swap3A_327], %broadcast_in_dim3A_3 {strides = array<i32>} : memref<2048xf32, #tpu.memory_space<vmem>>, vector<16xf32>,
    %swap3A_329 = arith.constant 1296 : index
    %swap3A_330 = tpu.vector_load %arg8[%swap3A_329] {strides = array<i32>} : memref<2048xf32, #tpu.memory_space<vmem>>, vector<16xf32>,
    tpu.vector_store %arg8[%swap3A_329], %broadcast_in_dim3A_3 {strides = array<i32>} : memref<2048xf32, #tpu.memory_space<vmem>>, vector<16xf32>,
    %swap3A_331 = arith.constant 1296 : index
    %swap3A_332 = tpu.vector_load %arg9[%swap3A_331] {strides = array<i32>} : memref<2048xf32, #tpu.memory_space<vmem>>, vector<16xf32>,
    tpu.vector_store %arg9[%swap3A_331], %broadcast_in_dim3A_3 {strides = array<i32>} : memref<2048xf32, #tpu.memory_space<vmem>>, vector<16xf32>,
    %swap3A_333 = arith.constant 1312 : index
    %swap3A_334 = tpu.vector_load %arg8[%swap3A_333] {strides = array<i32>} : memref<2048xf32, #tpu.memory_space<vmem>>, vector<16xf32>,
    tpu.vector_store %arg8[%swap3A_333], %broadcast_in_dim3A_3 {strides = array<i32>} : memref<2048xf32, #tpu.memory_space<vmem>>, vector<16xf32>,
    %swap3A_335 = arith.constant 1312 : index
    %swap3A_336 = tpu.vector_load %arg9[%swap3A_335] {strides = array<i32>} : memref<2048xf32, #tpu.memory_space<vmem>>, vector<16xf32>,
    tpu.vector_store %arg9[%swap3A_335], %broadcast_in_dim3A_3 {strides = array<i32>} : memref<2048xf32, #tpu.memory_space<vmem>>, vector<16xf32>,
    %swap3A_337 = arith.constant 1328 : index
    %swap3A_338 = tpu.vector_load %arg8[%swap3A_337] {strides = array<i32>} : memref<2048xf32, #tpu.memory_space<vmem>>, vector<16xf32>,
    tpu.vector_store %arg8[%swap3A_337], %broadcast_in_dim3A_3 {strides = array<i32>} : memref<2048xf32, #tpu.memory_space<vmem>>, vector<16xf32>,
    %swap3A_339 = arith.constant 1328 : index
    %swap3A_340 = tpu.vector_load %arg9[%swap3A_339] {strides = array<i32>} : memref<2048xf32, #tpu.memory_space<vmem>>, vector<16xf32>,
    tpu.vector_store %arg9[%swap3A_339], %broadcast_in_dim3A_3 {strides = array<i32>} : memref<2048xf32, #tpu.memory_space<vmem>>, vector<16xf32>,
    %swap3A_341 = arith.constant 1344 : index
    %swap3A_342 = tpu.vector_load %arg8[%swap3A_341] {strides = array<i32>} : memref<2048xf32, #tpu.memory_space<vmem>>, vector<16xf32>,
    tpu.vector_store %arg8[%swap3A_341], %broadcast_in_dim3A_3 {strides = array<i32>} : memref<2048xf32, #tpu.memory_space<vmem>>, vector<16xf32>,
    %swap3A_343 = arith.constant 1344 : index
    %swap3A_344 = tpu.vector_load %arg9[%swap3A_343] {strides = array<i32>} : memref<2048xf32, #tpu.memory_space<vmem>>, vector<16xf32>,
    tpu.vector_store %arg9[%swap3A_343], %broadcast_in_dim3A_3 {strides = array<i32>} : memref<2048xf32, #tpu.memory_space<vmem>>, vector<16xf32>,
    %swap3A_345 = arith.constant 1360 : index
    %swap3A_346 = tpu.vector_load %arg8[%swap3A_345] {strides = array<i32>} : memref<2048xf32, #tpu.memory_space<vmem>>, vector<16xf32>,
    tpu.vector_store %arg8[%swap3A_345], %broadcast_in_dim3A_3 {strides = array<i32>} : memref<2048xf32, #tpu.memory_space<vmem>>, vector<16xf32>,
    %swap3A_347 = arith.constant 1360 : index
    %swap3A_348 = tpu.vector_load %arg9[%swap3A_347] {strides = array<i32>} : memref<2048xf32, #tpu.memory_space<vmem>>, vector<16xf32>,
    tpu.vector_store %arg9[%swap3A_347], %broadcast_in_dim3A_3 {strides = array<i32>} : memref<2048xf32, #tpu.memory_space<vmem>>, vector<16xf32>,
    %swap3A_349 = arith.constant 1376 : index
    %swap3A_350 = tpu.vector_load %arg8[%swap3A_349] {strides = array<i32>} : memref<2048xf32, #tpu.memory_space<vmem>>, vector<16xf32>,
    tpu.vector_store %arg8[%swap3A_349], %broadcast_in_dim3A_3 {strides = array<i32>} : memref<2048xf32, #tpu.memory_space<vmem>>, vector<16xf32>,
    %swap3A_351 = arith.constant 1376 : index
    %swap3A_352 = tpu.vector_load %arg9[%swap3A_351] {strides = array<i32>} : memref<2048xf32, #tpu.memory_space<vmem>>, vector<16xf32>,
    tpu.vector_store %arg9[%swap3A_351], %broadcast_in_dim3A_3 {strides = array<i32>} : memref<2048xf32, #tpu.memory_space<vmem>>, vector<16xf32>,
    %swap3A_353 = arith.constant 1392 : index
    %swap3A_354 = tpu.vector_load %arg8[%swap3A_353] {strides = array<i32>} : memref<2048xf32, #tpu.memory_space<vmem>>, vector<16xf32>,
    tpu.vector_store %arg8[%swap3A_353], %broadcast_in_dim3A_3 {strides = array<i32>} : memref<2048xf32, #tpu.memory_space<vmem>>, vector<16xf32>,
    %swap3A_355 = arith.constant 1392 : index
    %swap3A_356 = tpu.vector_load %arg9[%swap3A_355] {strides = array<i32>} : memref<2048xf32, #tpu.memory_space<vmem>>, vector<16xf32>,
    tpu.vector_store %arg9[%swap3A_355], %broadcast_in_dim3A_3 {strides = array<i32>} : memref<2048xf32, #tpu.memory_space<vmem>>, vector<16xf32>,
    %swap3A_357 = arith.constant 1408 : index
    %swap3A_358 = tpu.vector_load %arg8[%swap3A_357] {strides = array<i32>} : memref<2048xf32, #tpu.memory_space<vmem>>, vector<16xf32>,
    tpu.vector_store %arg8[%swap3A_357], %broadcast_in_dim3A_3 {strides = array<i32>} : memref<2048xf32, #tpu.memory_space<vmem>>, vector<16xf32>,
    %swap3A_359 = arith.constant 1408 : index
    %swap3A_360 = tpu.vector_load %arg9[%swap3A_359] {strides = array<i32>} : memref<2048xf32, #tpu.memory_space<vmem>>, vector<16xf32>,
    tpu.vector_store %arg9[%swap3A_359], %broadcast_in_dim3A_3 {strides = array<i32>} : memref<2048xf32, #tpu.memory_space<vmem>>, vector<16xf32>,
    %swap3A_361 = arith.constant 1424 : index
    %swap3A_362 = tpu.vector_load %arg8[%swap3A_361] {strides = array<i32>} : memref<2048xf32, #tpu.memory_space<vmem>>, vector<16xf32>,
    tpu.vector_store %arg8[%swap3A_361], %broadcast_in_dim3A_3 {strides = array<i32>} : memref<2048xf32, #tpu.memory_space<vmem>>, vector<16xf32>,
    %swap3A_363 = arith.constant 1424 : index
    %swap3A_364 = tpu.vector_load %arg9[%swap3A_363] {strides = array<i32>} : memref<2048xf32, #tpu.memory_space<vmem>>, vector<16xf32>,
    tpu.vector_store %arg9[%swap3A_363], %broadcast_in_dim3A_3 {strides = array<i32>} : memref<2048xf32, #tpu.memory_space<vmem>>, vector<16xf32>,
    %swap3A_365 = arith.constant 1440 : index
    %swap3A_366 = tpu.vector_load %arg8[%swap3A_365] {strides = array<i32>} : memref<2048xf32, #tpu.memory_space<vmem>>, vector<16xf32>,
    tpu.vector_store %arg8[%swap3A_365], %broadcast_in_dim3A_3 {strides = array<i32>} : memref<2048xf32, #tpu.memory_space<vmem>>, vector<16xf32>,
    %swap3A_367 = arith.constant 1440 : index
    %swap3A_368 = tpu.vector_load %arg9[%swap3A_367] {strides = array<i32>} : memref<2048xf32, #tpu.memory_space<vmem>>, vector<16xf32>,
    tpu.vector_store %arg9[%swap3A_367], %broadcast_in_dim3A_3 {strides = array<i32>} : memref<2048xf32, #tpu.memory_space<vmem>>, vector<16xf32>,
    %swap3A_369 = arith.constant 1456 : index
    %swap3A_370 = tpu.vector_load %arg8[%swap3A_369] {strides = array<i32>} : memref<2048xf32, #tpu.memory_space<vmem>>, vector<16xf32>,
    tpu.vector_store %arg8[%swap3A_369], %broadcast_in_dim3A_3 {strides = array<i32>} : memref<2048xf32, #tpu.memory_space<vmem>>, vector<16xf32>,
    %swap3A_371 = arith.constant 1456 : index
    %swap3A_372 = tpu.vector_load %arg9[%swap3A_371] {strides = array<i32>} : memref<2048xf32, #tpu.memory_space<vmem>>, vector<16xf32>,
    tpu.vector_store %arg9[%swap3A_371], %broadcast_in_dim3A_3 {strides = array<i32>} : memref<2048xf32, #tpu.memory_space<vmem>>, vector<16xf32>,
    %swap3A_373 = arith.constant 1472 : index
    %swap3A_374 = tpu.vector_load %arg8[%swap3A_373] {strides = array<i32>} : memref<2048xf32, #tpu.memory_space<vmem>>, vector<16xf32>,
    tpu.vector_store %arg8[%swap3A_373], %broadcast_in_dim3A_3 {strides = array<i32>} : memref<2048xf32, #tpu.memory_space<vmem>>, vector<16xf32>,
    %swap3A_375 = arith.constant 1472 : index
    %swap3A_376 = tpu.vector_load %arg9[%swap3A_375] {strides = array<i32>} : memref<2048xf32, #tpu.memory_space<vmem>>, vector<16xf32>,
    tpu.vector_store %arg9[%swap3A_375], %broadcast_in_dim3A_3 {strides = array<i32>} : memref<2048xf32, #tpu.memory_space<vmem>>, vector<16xf32>,
    %swap3A_377 = arith.constant 1488 : index
    %swap3A_378 = tpu.vector_load %arg8[%swap3A_377] {strides = array<i32>} : memref<2048xf32, #tpu.memory_space<vmem>>, vector<16xf32>,
    tpu.vector_store %arg8[%swap3A_377], %broadcast_in_dim3A_3 {strides = array<i32>} : memref<2048xf32, #tpu.memory_space<vmem>>, vector<16xf32>,
    %swap3A_379 = arith.constant 1488 : index
    %swap3A_380 = tpu.vector_load %arg9[%swap3A_379] {strides = array<i32>} : memref<2048xf32, #tpu.memory_space<vmem>>, vector<16xf32>,
    tpu.vector_store %arg9[%swap3A_379], %broadcast_in_dim3A_3 {strides = array<i32>} : memref<2048xf32, #tpu.memory_space<vmem>>, vector<16xf32>,
    %swap3A_381 = arith.constant 1504 : index
    %swap3A_382 = tpu.vector_load %arg8[%swap3A_381] {strides = array<i32>} : memref<2048xf32, #tpu.memory_space<vmem>>, vector<16xf32>,
    tpu.vector_store %arg8[%swap3A_381], %broadcast_in_dim3A_3 {strides = array<i32>} : memref<2048xf32, #tpu.memory_space<vmem>>, vector<16xf32>,
    %swap3A_383 = arith.constant 1504 : index
    %swap3A_384 = tpu.vector_load %arg9[%swap3A_383] {strides = array<i32>} : memref<2048xf32, #tpu.memory_space<vmem>>, vector<16xf32>,
    tpu.vector_store %arg9[%swap3A_383], %broadcast_in_dim3A_3 {strides = array<i32>} : memref<2048xf32, #tpu.memory_space<vmem>>, vector<16xf32>,
    %swap3A_385 = arith.constant 1520 : index
    %swap3A_386 = tpu.vector_load %arg8[%swap3A_385] {strides = array<i32>} : memref<2048xf32, #tpu.memory_space<vmem>>, vector<16xf32>,
    tpu.vector_store %arg8[%swap3A_385], %broadcast_in_dim3A_3 {strides = array<i32>} : memref<2048xf32, #tpu.memory_space<vmem>>, vector<16xf32>,
    %swap3A_387 = arith.constant 1520 : index
    %swap3A_388 = tpu.vector_load %arg9[%swap3A_387] {strides = array<i32>} : memref<2048xf32, #tpu.memory_space<vmem>>, vector<16xf32>,
    tpu.vector_store %arg9[%swap3A_387], %broadcast_in_dim3A_3 {strides = array<i32>} : memref<2048xf32, #tpu.memory_space<vmem>>, vector<16xf32>,
    %swap3A_389 = arith.constant 1536 : index
    %swap3A_390 = tpu.vector_load %arg8[%swap3A_389] {strides = array<i32>} : memref<2048xf32, #tpu.memory_space<vmem>>, vector<16xf32>,
    tpu.vector_store %arg8[%swap3A_389], %broadcast_in_dim3A_3 {strides = array<i32>} : memref<2048xf32, #tpu.memory_space<vmem>>, vector<16xf32>,
    %swap3A_391 = arith.constant 1536 : index
    %swap3A_392 = tpu.vector_load %arg9[%swap3A_391] {strides = array<i32>} : memref<2048xf32, #tpu.memory_space<vmem>>, vector<16xf32>,
    tpu.vector_store %arg9[%swap3A_391], %broadcast_in_dim3A_3 {strides = array<i32>} : memref<2048xf32, #tpu.memory_space<vmem>>, vector<16xf32>,
    %swap3A_393 = arith.constant 1552 : index
    %swap3A_394 = tpu.vector_load %arg8[%swap3A_393] {strides = array<i32>} : memref<2048xf32, #tpu.memory_space<vmem>>, vector<16xf32>,
    tpu.vector_store %arg8[%swap3A_393], %broadcast_in_dim3A_3 {strides = array<i32>} : memref<2048xf32, #tpu.memory_space<vmem>>, vector<16xf32>,
    %swap3A_395 = arith.constant 1552 : index
    %swap3A_396 = tpu.vector_load %arg9[%swap3A_395] {strides = array<i32>} : memref<2048xf32, #tpu.memory_space<vmem>>, vector<16xf32>,
    tpu.vector_store %arg9[%swap3A_395], %broadcast_in_dim3A_3 {strides = array<i32>} : memref<2048xf32, #tpu.memory_space<vmem>>, vector<16xf32>,
    %swap3A_397 = arith.constant 1568 : index
    %swap3A_398 = tpu.vector_load %arg8[%swap3A_397] {strides = array<i32>} : memref<2048xf32, #tpu.memory_space<vmem>>, vector<16xf32>,
    tpu.vector_store %arg8[%swap3A_397], %broadcast_in_dim3A_3 {strides = array<i32>} : memref<2048xf32, #tpu.memory_space<vmem>>, vector<16xf32>,
    %swap3A_399 = arith.constant 1568 : index
    %swap3A_400 = tpu.vector_load %arg9[%swap3A_399] {strides = array<i32>} : memref<2048xf32, #tpu.memory_space<vmem>>, vector<16xf32>,
    tpu.vector_store %arg9[%swap3A_399], %broadcast_in_dim3A_3 {strides = array<i32>} : memref<2048xf32, #tpu.memory_space<vmem>>, vector<16xf32>,
    %swap3A_401 = arith.constant 1584 : index
    %swap3A_402 = tpu.vector_load %arg8[%swap3A_401] {strides = array<i32>} : memref<2048xf32, #tpu.memory_space<vmem>>, vector<16xf32>,
    tpu.vector_store %arg8[%swap3A_401], %broadcast_in_dim3A_3 {strides = array<i32>} : memref<2048xf32, #tpu.memory_space<vmem>>, vector<16xf32>,
    %swap3A_403 = arith.constant 1584 : index
    %swap3A_404 = tpu.vector_load %arg9[%swap3A_403] {strides = array<i32>} : memref<2048xf32, #tpu.memory_space<vmem>>, vector<16xf32>,
    tpu.vector_store %arg9[%swap3A_403], %broadcast_in_dim3A_3 {strides = array<i32>} : memref<2048xf32, #tpu.memory_space<vmem>>, vector<16xf32>,
    %swap3A_405 = arith.constant 1600 : index
    %swap3A_406 = tpu.vector_load %arg8[%swap3A_405] {strides = array<i32>} : memref<2048xf32, #tpu.memory_space<vmem>>, vector<16xf32>,
    tpu.vector_store %arg8[%swap3A_405], %broadcast_in_dim3A_3 {strides = array<i32>} : memref<2048xf32, #tpu.memory_space<vmem>>, vector<16xf32>,
    %swap3A_407 = arith.constant 1600 : index
    %swap3A_408 = tpu.vector_load %arg9[%swap3A_407] {strides = array<i32>} : memref<2048xf32, #tpu.memory_space<vmem>>, vector<16xf32>,
    tpu.vector_store %arg9[%swap3A_407], %broadcast_in_dim3A_3 {strides = array<i32>} : memref<2048xf32, #tpu.memory_space<vmem>>, vector<16xf32>,
    %swap3A_409 = arith.constant 1616 : index
    %swap3A_410 = tpu.vector_load %arg8[%swap3A_409] {strides = array<i32>} : memref<2048xf32, #tpu.memory_space<vmem>>, vector<16xf32>,
    tpu.vector_store %arg8[%swap3A_409], %broadcast_in_dim3A_3 {strides = array<i32>} : memref<2048xf32, #tpu.memory_space<vmem>>, vector<16xf32>,
    %swap3A_411 = arith.constant 1616 : index
    %swap3A_412 = tpu.vector_load %arg9[%swap3A_411] {strides = array<i32>} : memref<2048xf32, #tpu.memory_space<vmem>>, vector<16xf32>,
    tpu.vector_store %arg9[%swap3A_411], %broadcast_in_dim3A_3 {strides = array<i32>} : memref<2048xf32, #tpu.memory_space<vmem>>, vector<16xf32>,
    %swap3A_413 = arith.constant 1632 : index
    %swap3A_414 = tpu.vector_load %arg8[%swap3A_413] {strides = array<i32>} : memref<2048xf32, #tpu.memory_space<vmem>>, vector<16xf32>,
    tpu.vector_store %arg8[%swap3A_413], %broadcast_in_dim3A_3 {strides = array<i32>} : memref<2048xf32, #tpu.memory_space<vmem>>, vector<16xf32>,
    %swap3A_415 = arith.constant 1632 : index
    %swap3A_416 = tpu.vector_load %arg9[%swap3A_415] {strides = array<i32>} : memref<2048xf32, #tpu.memory_space<vmem>>, vector<16xf32>,
    tpu.vector_store %arg9[%swap3A_415], %broadcast_in_dim3A_3 {strides = array<i32>} : memref<2048xf32, #tpu.memory_space<vmem>>, vector<16xf32>,
    %swap3A_417 = arith.constant 1648 : index
    %swap3A_418 = tpu.vector_load %arg8[%swap3A_417] {strides = array<i32>} : memref<2048xf32, #tpu.memory_space<vmem>>, vector<16xf32>,
    tpu.vector_store %arg8[%swap3A_417], %broadcast_in_dim3A_3 {strides = array<i32>} : memref<2048xf32, #tpu.memory_space<vmem>>, vector<16xf32>,
    %swap3A_419 = arith.constant 1648 : index
    %swap3A_420 = tpu.vector_load %arg9[%swap3A_419] {strides = array<i32>} : memref<2048xf32, #tpu.memory_space<vmem>>, vector<16xf32>,
    tpu.vector_store %arg9[%swap3A_419], %broadcast_in_dim3A_3 {strides = array<i32>} : memref<2048xf32, #tpu.memory_space<vmem>>, vector<16xf32>,
    %swap3A_421 = arith.constant 1664 : index
    %swap3A_422 = tpu.vector_load %arg8[%swap3A_421] {strides = array<i32>} : memref<2048xf32, #tpu.memory_space<vmem>>, vector<16xf32>,
    tpu.vector_store %arg8[%swap3A_421], %broadcast_in_dim3A_3 {strides = array<i32>} : memref<2048xf32, #tpu.memory_space<vmem>>, vector<16xf32>,
    %swap3A_423 = arith.constant 1664 : index
    %swap3A_424 = tpu.vector_load %arg9[%swap3A_423] {strides = array<i32>} : memref<2048xf32, #tpu.memory_space<vmem>>, vector<16xf32>,
    tpu.vector_store %arg9[%swap3A_423], %broadcast_in_dim3A_3 {strides = array<i32>} : memref<2048xf32, #tpu.memory_space<vmem>>, vector<16xf32>,
    %swap3A_425 = arith.constant 1680 : index
    %swap3A_426 = tpu.vector_load %arg8[%swap3A_425] {strides = array<i32>} : memref<2048xf32, #tpu.memory_space<vmem>>, vector<16xf32>,
    tpu.vector_store %arg8[%swap3A_425], %broadcast_in_dim3A_3 {strides = array<i32>} : memref<2048xf32, #tpu.memory_space<vmem>>, vector<16xf32>,
    %swap3A_427 = arith.constant 1680 : index
    %swap3A_428 = tpu.vector_load %arg9[%swap3A_427] {strides = array<i32>} : memref<2048xf32, #tpu.memory_space<vmem>>, vector<16xf32>,
    tpu.vector_store %arg9[%swap3A_427], %broadcast_in_dim3A_3 {strides = array<i32>} : memref<2048xf32, #tpu.memory_space<vmem>>, vector<16xf32>,
    %swap3A_429 = arith.constant 1696 : index
    %swap3A_430 = tpu.vector_load %arg8[%swap3A_429] {strides = array<i32>} : memref<2048xf32, #tpu.memory_space<vmem>>, vector<16xf32>,
    tpu.vector_store %arg8[%swap3A_429], %broadcast_in_dim3A_3 {strides = array<i32>} : memref<2048xf32, #tpu.memory_space<vmem>>, vector<16xf32>,
    %swap3A_431 = arith.constant 1696 : index
    %swap3A_432 = tpu.vector_load %arg9[%swap3A_431] {strides = array<i32>} : memref<2048xf32, #tpu.memory_space<vmem>>, vector<16xf32>,
    tpu.vector_store %arg9[%swap3A_431], %broadcast_in_dim3A_3 {strides = array<i32>} : memref<2048xf32, #tpu.memory_space<vmem>>, vector<16xf32>,
    %swap3A_433 = arith.constant 1712 : index
    %swap3A_434 = tpu.vector_load %arg8[%swap3A_433] {strides = array<i32>} : memref<2048xf32, #tpu.memory_space<vmem>>, vector<16xf32>,
    tpu.vector_store %arg8[%swap3A_433], %broadcast_in_dim3A_3 {strides = array<i32>} : memref<2048xf32, #tpu.memory_space<vmem>>, vector<16xf32>,
    %swap3A_435 = arith.constant 1712 : index
    %swap3A_436 = tpu.vector_load %arg9[%swap3A_435] {strides = array<i32>} : memref<2048xf32, #tpu.memory_space<vmem>>, vector<16xf32>,
    tpu.vector_store %arg9[%swap3A_435], %broadcast_in_dim3A_3 {strides = array<i32>} : memref<2048xf32, #tpu.memory_space<vmem>>, vector<16xf32>,
    %swap3A_437 = arith.constant 1728 : index
    %swap3A_438 = tpu.vector_load %arg8[%swap3A_437] {strides = array<i32>} : memref<2048xf32, #tpu.memory_space<vmem>>, vector<16xf32>,
    tpu.vector_store %arg8[%swap3A_437], %broadcast_in_dim3A_3 {strides = array<i32>} : memref<2048xf32, #tpu.memory_space<vmem>>, vector<16xf32>,
    %swap3A_439 = arith.constant 1728 : index
    %swap3A_440 = tpu.vector_load %arg9[%swap3A_439] {strides = array<i32>} : memref<2048xf32, #tpu.memory_space<vmem>>, vector<16xf32>,
    tpu.vector_store %arg9[%swap3A_439], %broadcast_in_dim3A_3 {strides = array<i32>} : memref<2048xf32, #tpu.memory_space<vmem>>, vector<16xf32>,
    %swap3A_441 = arith.constant 1744 : index
    %swap3A_442 = tpu.vector_load %arg8[%swap3A_441] {strides = array<i32>} : memref<2048xf32, #tpu.memory_space<vmem>>, vector<16xf32>,
    tpu.vector_store %arg8[%swap3A_441], %broadcast_in_dim3A_3 {strides = array<i32>} : memref<2048xf32, #tpu.memory_space<vmem>>, vector<16xf32>,
    %swap3A_443 = arith.constant 1744 : index
    %swap3A_444 = tpu.vector_load %arg9[%swap3A_443] {strides = array<i32>} : memref<2048xf32, #tpu.memory_space<vmem>>, vector<16xf32>,
    tpu.vector_store %arg9[%swap3A_443], %broadcast_in_dim3A_3 {strides = array<i32>} : memref<2048xf32, #tpu.memory_space<vmem>>, vector<16xf32>,
    %swap3A_445 = arith.constant 1760 : index
    %swap3A_446 = tpu.vector_load %arg8[%swap3A_445] {strides = array<i32>} : memref<2048xf32, #tpu.memory_space<vmem>>, vector<16xf32>,
    tpu.vector_store %arg8[%swap3A_445], %broadcast_in_dim3A_3 {strides = array<i32>} : memref<2048xf32, #tpu.memory_space<vmem>>, vector<16xf32>,
    %swap3A_447 = arith.constant 1760 : index
    %swap3A_448 = tpu.vector_load %arg9[%swap3A_447] {strides = array<i32>} : memref<2048xf32, #tpu.memory_space<vmem>>, vector<16xf32>,
    tpu.vector_store %arg9[%swap3A_447], %broadcast_in_dim3A_3 {strides = array<i32>} : memref<2048xf32, #tpu.memory_space<vmem>>, vector<16xf32>,
    %swap3A_449 = arith.constant 1776 : index
    %swap3A_450 = tpu.vector_load %arg8[%swap3A_449] {strides = array<i32>} : memref<2048xf32, #tpu.memory_space<vmem>>, vector<16xf32>,
    tpu.vector_store %arg8[%swap3A_449], %broadcast_in_dim3A_3 {strides = array<i32>} : memref<2048xf32, #tpu.memory_space<vmem>>, vector<16xf32>,
    %swap3A_451 = arith.constant 1776 : index
    %swap3A_452 = tpu.vector_load %arg9[%swap3A_451] {strides = array<i32>} : memref<2048xf32, #tpu.memory_space<vmem>>, vector<16xf32>,
    tpu.vector_store %arg9[%swap3A_451], %broadcast_in_dim3A_3 {strides = array<i32>} : memref<2048xf32, #tpu.memory_space<vmem>>, vector<16xf32>,
    %swap3A_453 = arith.constant 1792 : index
    %swap3A_454 = tpu.vector_load %arg8[%swap3A_453] {strides = array<i32>} : memref<2048xf32, #tpu.memory_space<vmem>>, vector<16xf32>,
    tpu.vector_store %arg8[%swap3A_453], %broadcast_in_dim3A_3 {strides = array<i32>} : memref<2048xf32, #tpu.memory_space<vmem>>, vector<16xf32>,
    %swap3A_455 = arith.constant 1792 : index
    %swap3A_456 = tpu.vector_load %arg9[%swap3A_455] {strides = array<i32>} : memref<2048xf32, #tpu.memory_space<vmem>>, vector<16xf32>,
    tpu.vector_store %arg9[%swap3A_455], %broadcast_in_dim3A_3 {strides = array<i32>} : memref<2048xf32, #tpu.memory_space<vmem>>, vector<16xf32>,
    %swap3A_457 = arith.constant 1808 : index
    %swap3A_458 = tpu.vector_load %arg8[%swap3A_457] {strides = array<i32>} : memref<2048xf32, #tpu.memory_space<vmem>>, vector<16xf32>,
    tpu.vector_store %arg8[%swap3A_457], %broadcast_in_dim3A_3 {strides = array<i32>} : memref<2048xf32, #tpu.memory_space<vmem>>, vector<16xf32>,
    %swap3A_459 = arith.constant 1808 : index
    %swap3A_460 = tpu.vector_load %arg9[%swap3A_459] {strides = array<i32>} : memref<2048xf32, #tpu.memory_space<vmem>>, vector<16xf32>,
    tpu.vector_store %arg9[%swap3A_459], %broadcast_in_dim3A_3 {strides = array<i32>} : memref<2048xf32, #tpu.memory_space<vmem>>, vector<16xf32>,
    %swap3A_461 = arith.constant 1824 : index
    %swap3A_462 = tpu.vector_load %arg8[%swap3A_461] {strides = array<i32>} : memref<2048xf32, #tpu.memory_space<vmem>>, vector<16xf32>,
    tpu.vector_store %arg8[%swap3A_461], %broadcast_in_dim3A_3 {strides = array<i32>} : memref<2048xf32, #tpu.memory_space<vmem>>, vector<16xf32>,
    %swap3A_463 = arith.constant 1824 : index
    %swap3A_464 = tpu.vector_load %arg9[%swap3A_463] {strides = array<i32>} : memref<2048xf32, #tpu.memory_space<vmem>>, vector<16xf32>,
    tpu.vector_store %arg9[%swap3A_463], %broadcast_in_dim3A_3 {strides = array<i32>} : memref<2048xf32, #tpu.memory_space<vmem>>, vector<16xf32>,
    %swap3A_465 = arith.constant 1840 : index
    %swap3A_466 = tpu.vector_load %arg8[%swap3A_465] {strides = array<i32>} : memref<2048xf32, #tpu.memory_space<vmem>>, vector<16xf32>,
    tpu.vector_store %arg8[%swap3A_465], %broadcast_in_dim3A_3 {strides = array<i32>} : memref<2048xf32, #tpu.memory_space<vmem>>, vector<16xf32>,
    %swap3A_467 = arith.constant 1840 : index
    %swap3A_468 = tpu.vector_load %arg9[%swap3A_467] {strides = array<i32>} : memref<2048xf32, #tpu.memory_space<vmem>>, vector<16xf32>,
    tpu.vector_store %arg9[%swap3A_467], %broadcast_in_dim3A_3 {strides = array<i32>} : memref<2048xf32, #tpu.memory_space<vmem>>, vector<16xf32>,
    %swap3A_469 = arith.constant 1856 : index
    %swap3A_470 = tpu.vector_load %arg8[%swap3A_469] {strides = array<i32>} : memref<2048xf32, #tpu.memory_space<vmem>>, vector<16xf32>,
    tpu.vector_store %arg8[%swap3A_469], %broadcast_in_dim3A_3 {strides = array<i32>} : memref<2048xf32, #tpu.memory_space<vmem>>, vector<16xf32>,
    %swap3A_471 = arith.constant 1856 : index
    %swap3A_472 = tpu.vector_load %arg9[%swap3A_471] {strides = array<i32>} : memref<2048xf32, #tpu.memory_space<vmem>>, vector<16xf32>,
    tpu.vector_store %arg9[%swap3A_471], %broadcast_in_dim3A_3 {strides = array<i32>} : memref<2048xf32, #tpu.memory_space<vmem>>, vector<16xf32>,
    %swap3A_473 = arith.constant 1872 : index
    %swap3A_474 = tpu.vector_load %arg8[%swap3A_473] {strides = array<i32>} : memref<2048xf32, #tpu.memory_space<vmem>>, vector<16xf32>,
    tpu.vector_store %arg8[%swap3A_473], %broadcast_in_dim3A_3 {strides = array<i32>} : memref<2048xf32, #tpu.memory_space<vmem>>, vector<16xf32>,
    %swap3A_475 = arith.constant 1872 : index
    %swap3A_476 = tpu.vector_load %arg9[%swap3A_475] {strides = array<i32>} : memref<2048xf32, #tpu.memory_space<vmem>>, vector<16xf32>,
    tpu.vector_store %arg9[%swap3A_475], %broadcast_in_dim3A_3 {strides = array<i32>} : memref<2048xf32, #tpu.memory_space<vmem>>, vector<16xf32>,
    %swap3A_477 = arith.constant 1888 : index
    %swap3A_478 = tpu.vector_load %arg8[%swap3A_477] {strides = array<i32>} : memref<2048xf32, #tpu.memory_space<vmem>>, vector<16xf32>,
    tpu.vector_store %arg8[%swap3A_477], %broadcast_in_dim3A_3 {strides = array<i32>} : memref<2048xf32, #tpu.memory_space<vmem>>, vector<16xf32>,
    %swap3A_479 = arith.constant 1888 : index
    %swap3A_480 = tpu.vector_load %arg9[%swap3A_479] {strides = array<i32>} : memref<2048xf32, #tpu.memory_space<vmem>>, vector<16xf32>,
    tpu.vector_store %arg9[%swap3A_479], %broadcast_in_dim3A_3 {strides = array<i32>} : memref<2048xf32, #tpu.memory_space<vmem>>, vector<16xf32>,
    %swap3A_481 = arith.constant 1904 : index
    %swap3A_482 = tpu.vector_load %arg8[%swap3A_481] {strides = array<i32>} : memref<2048xf32, #tpu.memory_space<vmem>>, vector<16xf32>,
    tpu.vector_store %arg8[%swap3A_481], %broadcast_in_dim3A_3 {strides = array<i32>} : memref<2048xf32, #tpu.memory_space<vmem>>, vector<16xf32>,
    %swap3A_483 = arith.constant 1904 : index
    %swap3A_484 = tpu.vector_load %arg9[%swap3A_483] {strides = array<i32>} : memref<2048xf32, #tpu.memory_space<vmem>>, vector<16xf32>,
    tpu.vector_store %arg9[%swap3A_483], %broadcast_in_dim3A_3 {strides = array<i32>} : memref<2048xf32, #tpu.memory_space<vmem>>, vector<16xf32>,
    %swap3A_485 = arith.constant 1920 : index
    %swap3A_486 = tpu.vector_load %arg8[%swap3A_485] {strides = array<i32>} : memref<2048xf32, #tpu.memory_space<vmem>>, vector<16xf32>,
    tpu.vector_store %arg8[%swap3A_485], %broadcast_in_dim3A_3 {strides = array<i32>} : memref<2048xf32, #tpu.memory_space<vmem>>, vector<16xf32>,
    %swap3A_487 = arith.constant 1920 : index
    %swap3A_488 = tpu.vector_load %arg9[%swap3A_487] {strides = array<i32>} : memref<2048xf32, #tpu.memory_space<vmem>>, vector<16xf32>,
    tpu.vector_store %arg9[%swap3A_487], %broadcast_in_dim3A_3 {strides = array<i32>} : memref<2048xf32, #tpu.memory_space<vmem>>, vector<16xf32>,
    %swap3A_489 = arith.constant 1936 : index
    %swap3A_490 = tpu.vector_load %arg8[%swap3A_489] {strides = array<i32>} : memref<2048xf32, #tpu.memory_space<vmem>>, vector<16xf32>,
    tpu.vector_store %arg8[%swap3A_489], %broadcast_in_dim3A_3 {strides = array<i32>} : memref<2048xf32, #tpu.memory_space<vmem>>, vector<16xf32>,
    %swap3A_491 = arith.constant 1936 : index
    %swap3A_492 = tpu.vector_load %arg9[%swap3A_491] {strides = array<i32>} : memref<2048xf32, #tpu.memory_space<vmem>>, vector<16xf32>,
    tpu.vector_store %arg9[%swap3A_491], %broadcast_in_dim3A_3 {strides = array<i32>} : memref<2048xf32, #tpu.memory_space<vmem>>, vector<16xf32>,
    %swap3A_493 = arith.constant 1952 : index
    %swap3A_494 = tpu.vector_load %arg8[%swap3A_493] {strides = array<i32>} : memref<2048xf32, #tpu.memory_space<vmem>>, vector<16xf32>,
    tpu.vector_store %arg8[%swap3A_493], %broadcast_in_dim3A_3 {strides = array<i32>} : memref<2048xf32, #tpu.memory_space<vmem>>, vector<16xf32>,
    %swap3A_495 = arith.constant 1952 : index
    %swap3A_496 = tpu.vector_load %arg9[%swap3A_495] {strides = array<i32>} : memref<2048xf32, #tpu.memory_space<vmem>>, vector<16xf32>,
    tpu.vector_store %arg9[%swap3A_495], %broadcast_in_dim3A_3 {strides = array<i32>} : memref<2048xf32, #tpu.memory_space<vmem>>, vector<16xf32>,
    %swap3A_497 = arith.constant 1968 : index
    %swap3A_498 = tpu.vector_load %arg8[%swap3A_497] {strides = array<i32>} : memref<2048xf32, #tpu.memory_space<vmem>>, vector<16xf32>,
    tpu.vector_store %arg8[%swap3A_497], %broadcast_in_dim3A_3 {strides = array<i32>} : memref<2048xf32, #tpu.memory_space<vmem>>, vector<16xf32>,
    %swap3A_499 = arith.constant 1968 : index
    %swap3A_500 = tpu.vector_load %arg9[%swap3A_499] {strides = array<i32>} : memref<2048xf32, #tpu.memory_space<vmem>>, vector<16xf32>,
    tpu.vector_store %arg9[%swap3A_499], %broadcast_in_dim3A_3 {strides = array<i32>} : memref<2048xf32, #tpu.memory_space<vmem>>, vector<16xf32>,
    %swap3A_501 = arith.constant 1984 : index
    %swap3A_502 = tpu.vector_load %arg8[%swap3A_501] {strides = array<i32>} : memref<2048xf32, #tpu.memory_space<vmem>>, vector<16xf32>,
    tpu.vector_store %arg8[%swap3A_501], %broadcast_in_dim3A_3 {strides = array<i32>} : memref<2048xf32, #tpu.memory_space<vmem>>, vector<16xf32>,
    %swap3A_503 = arith.constant 1984 : index
    %swap3A_504 = tpu.vector_load %arg9[%swap3A_503] {strides = array<i32>} : memref<2048xf32, #tpu.memory_space<vmem>>, vector<16xf32>,
    tpu.vector_store %arg9[%swap3A_503], %broadcast_in_dim3A_3 {strides = array<i32>} : memref<2048xf32, #tpu.memory_space<vmem>>, vector<16xf32>,
    %swap3A_505 = arith.constant 2000 : index
    %swap3A_506 = tpu.vector_load %arg8[%swap3A_505] {strides = array<i32>} : memref<2048xf32, #tpu.memory_space<vmem>>, vector<16xf32>,
    tpu.vector_store %arg8[%swap3A_505], %broadcast_in_dim3A_3 {strides = array<i32>} : memref<2048xf32, #tpu.memory_space<vmem>>, vector<16xf32>,
    %swap3A_507 = arith.constant 2000 : index
    %swap3A_508 = tpu.vector_load %arg9[%swap3A_507] {strides = array<i32>} : memref<2048xf32, #tpu.memory_space<vmem>>, vector<16xf32>,
    tpu.vector_store %arg9[%swap3A_507], %broadcast_in_dim3A_3 {strides = array<i32>} : memref<2048xf32, #tpu.memory_space<vmem>>, vector<16xf32>,
    %swap3A_509 = arith.constant 2016 : index
    %swap3A_510 = tpu.vector_load %arg8[%swap3A_509] {strides = array<i32>} : memref<2048xf32, #tpu.memory_space<vmem>>, vector<16xf32>,
    tpu.vector_store %arg8[%swap3A_509], %broadcast_in_dim3A_3 {strides = array<i32>} : memref<2048xf32, #tpu.memory_space<vmem>>, vector<16xf32>,
    %swap3A_511 = arith.constant 2016 : index
    %swap3A_512 = tpu.vector_load %arg9[%swap3A_511] {strides = array<i32>} : memref<2048xf32, #tpu.memory_space<vmem>>, vector<16xf32>,
    tpu.vector_store %arg9[%swap3A_511], %broadcast_in_dim3A_3 {strides = array<i32>} : memref<2048xf32, #tpu.memory_space<vmem>>, vector<16xf32>,
    %swap3A_513 = arith.constant 2032 : index
    %swap3A_514 = tpu.vector_load %arg8[%swap3A_513] {strides = array<i32>} : memref<2048xf32, #tpu.memory_space<vmem>>, vector<16xf32>,
    tpu.vector_store %arg8[%swap3A_513], %broadcast_in_dim3A_3 {strides = array<i32>} : memref<2048xf32, #tpu.memory_space<vmem>>, vector<16xf32>,
    %swap3A_515 = arith.constant 2032 : index
    %swap3A_516 = tpu.vector_load %arg9[%swap3A_515] {strides = array<i32>} : memref<2048xf32, #tpu.memory_space<vmem>>, vector<16xf32>,
    tpu.vector_store %arg9[%swap3A_515], %broadcast_in_dim3A_3 {strides = array<i32>} : memref<2048xf32, #tpu.memory_space<vmem>>, vector<16xf32>,
    %scan3A = arith.constant 0 : i32
    %scan3A_517 = arith.constant 0 : i32
    %scan3A_518 = arith.constant 512 : i32
    %scan3A_519 = arith.addi %scan3A_517, %scan3A_518 : i32
    %scan3A_520 = arith.constant 1 : i32
    scf.for %scan3A_522 = %scan3A_517 to %scan3A_519 step %scan3A_520  : i32 {
      %mul3A_523 = arith.constant 16 : i32
      %mul3A_524 = arith.muli %scan3A_522, %mul3A_523 : i32
      %get3A = arith.index_cast %mul3A_524 : i32 to index
      %get3A_525 = tpu.vector_load %arg6[%get3A] {strides = array<i32>} : memref<8192xi32, #tpu.memory_space<vmem>>, vector<16xi32>,
      %get3A_526 = arith.index_cast %mul3A_524 : i32 to index
      %get3A_527 = tpu.vector_load %arg7[%get3A_526] {strides = array<i32>} : memref<8192xf32, #tpu.memory_space<vmem>>, vector<16xf32>,
      tpu.vector_store_idx %arg8[%get3A_525], %get3A_527 {add = true} : memref<2048xf32, #tpu.memory_space<vmem>>[vector<16xi32>], vector<16xf32>,
      tpu.vector_store_idx %arg9[%get3A_525], %broadcast_in_dim3A_5 {add = true} : memref<2048xf32, #tpu.memory_space<vmem>>[vector<16xi32>], vector<16xf32>,
    }
    %scan3A_521 = arith.constant 512 : i32
    "tpu.region"() ({
      %run_scoped3A = tpu.sem_alloc : memref<!tpu.dma_semaphore, #tpu.memory_space<semaphore_mem>>
      %dma_start3A = arith.constant 0 : i32
      %dma_start3A_522 = tpu.memref_slice %arg4[%add3A, %dma_start3A] : memref<32x2048xf32, #tpu.memory_space<hbm>> -> memref<1x2048xf32, #tpu.memory_space<hbm>>
      %dma_start3A_523 = tpu.memref_squeeze %dma_start3A_522 : memref<1x2048xf32, #tpu.memory_space<hbm>> -> memref<2048xf32, #tpu.memory_space<hbm>>
      %dma_start3A_524 = arith.constant 0 : i32
      %dma_start3A_525 = tpu.memref_slice %arg4[%add3A, %dma_start3A_524] : memref<32x2048xf32, #tpu.memory_space<hbm>> -> memref<1x2048xf32, #tpu.memory_space<hbm>>
      %dma_start3A_526 = tpu.memref_squeeze %dma_start3A_525 : memref<1x2048xf32, #tpu.memory_space<hbm>> -> memref<2048xf32, #tpu.memory_space<hbm>>
      tpu.enqueue_dma source(%arg8 : memref<2048xf32, #tpu.memory_space<vmem>>) target(%dma_start3A_526 : memref<2048xf32, #tpu.memory_space<hbm>>) target_semaphore(%run_scoped3A : memref<!tpu.dma_semaphore, #tpu.memory_space<semaphore_mem>>)
      %dma_wait3A = arith.constant 0 : i32
      %dma_wait3A_527 = tpu.memref_slice %arg4[%add3A, %dma_wait3A] : memref<32x2048xf32, #tpu.memory_space<hbm>> -> memref<1x2048xf32, #tpu.memory_space<hbm>>
      %dma_wait3A_528 = tpu.memref_squeeze %dma_wait3A_527 : memref<1x2048xf32, #tpu.memory_space<hbm>> -> memref<2048xf32, #tpu.memory_space<hbm>>
      %dma_wait3A_529 = arith.constant 0 : i32
      %dma_wait3A_530 = tpu.memref_slice %arg4[%add3A, %dma_wait3A_529] : memref<32x2048xf32, #tpu.memory_space<hbm>> -> memref<1x2048xf32, #tpu.memory_space<hbm>>
      %dma_wait3A_531 = tpu.memref_squeeze %dma_wait3A_530 : memref<1x2048xf32, #tpu.memory_space<hbm>> -> memref<2048xf32, #tpu.memory_space<hbm>>
      tpu.wait_dma2 semaphore(%run_scoped3A : memref<!tpu.dma_semaphore, #tpu.memory_space<semaphore_mem>>) src(%arg8 : memref<2048xf32, #tpu.memory_space<vmem>>) dst(%dma_wait3A_531 : memref<2048xf32, #tpu.memory_space<hbm>>)
      tpu.yield
    }) : () -> ()
    "tpu.region"() ({
      %run_scoped3A = tpu.sem_alloc : memref<!tpu.dma_semaphore, #tpu.memory_space<semaphore_mem>>
      %dma_start3A = arith.constant 0 : i32
      %dma_start3A_522 = tpu.memref_slice %arg5[%add3A, %dma_start3A] : memref<32x2048xf32, #tpu.memory_space<hbm>> -> memref<1x2048xf32, #tpu.memory_space<hbm>>
      %dma_start3A_523 = tpu.memref_squeeze %dma_start3A_522 : memref<1x2048xf32, #tpu.memory_space<hbm>> -> memref<2048xf32, #tpu.memory_space<hbm>>
      %dma_start3A_524 = arith.constant 0 : i32
      %dma_start3A_525 = tpu.memref_slice %arg5[%add3A, %dma_start3A_524] : memref<32x2048xf32, #tpu.memory_space<hbm>> -> memref<1x2048xf32, #tpu.memory_space<hbm>>
      %dma_start3A_526 = tpu.memref_squeeze %dma_start3A_525 : memref<1x2048xf32, #tpu.memory_space<hbm>> -> memref<2048xf32, #tpu.memory_space<hbm>>
      tpu.enqueue_dma source(%arg9 : memref<2048xf32, #tpu.memory_space<vmem>>) target(%dma_start3A_526 : memref<2048xf32, #tpu.memory_space<hbm>>) target_semaphore(%run_scoped3A : memref<!tpu.dma_semaphore, #tpu.memory_space<semaphore_mem>>)
      %dma_wait3A = arith.constant 0 : i32
      %dma_wait3A_527 = tpu.memref_slice %arg5[%add3A, %dma_wait3A] : memref<32x2048xf32, #tpu.memory_space<hbm>> -> memref<1x2048xf32, #tpu.memory_space<hbm>>
      %dma_wait3A_528 = tpu.memref_squeeze %dma_wait3A_527 : memref<1x2048xf32, #tpu.memory_space<hbm>> -> memref<2048xf32, #tpu.memory_space<hbm>>
      %dma_wait3A_529 = arith.constant 0 : i32
      %dma_wait3A_530 = tpu.memref_slice %arg5[%add3A, %dma_wait3A_529] : memref<32x2048xf32, #tpu.memory_space<hbm>> -> memref<1x2048xf32, #tpu.memory_space<hbm>>
      %dma_wait3A_531 = tpu.memref_squeeze %dma_wait3A_530 : memref<1x2048xf32, #tpu.memory_space<hbm>> -> memref<2048xf32, #tpu.memory_space<hbm>>
      tpu.wait_dma2 semaphore(%run_scoped3A : memref<!tpu.dma_semaphore, #tpu.memory_space<semaphore_mem>>) src(%arg9 : memref<2048xf32, #tpu.memory_space<vmem>>) dst(%dma_wait3A_531 : memref<2048xf32, #tpu.memory_space<hbm>>)
      tpu.yield
    }) : () -> ()
    return
  }
}

module attributes {stable_mosaic.version = 14 : i64} {
  func.func @_fin_body(%arg0: memref<32x2048xf32, #tpu.memory_space<vmem>>, %arg1: memref<32x2048xf32, #tpu.memory_space<vmem>>, %arg2: memref<8x128xf32, #tpu.memory_space<vmem>>) attributes {dimension_semantics = [], scalar_prefetch = 0 : i64, scratch_operands = 0 : i64, tpu.core_type = #tpu.core_type<tc>} {
    %get3A = arith.constant 0 : index
    %get3A_0 = arith.constant 0 : index
    %get3A_1 = vector.load %arg0[%get3A, %get3A_0] : memref<32x2048xf32, #tpu.memory_space<vmem>>, vector<32x2048xf32>
    %reduce_sum3A = arith.constant dense<0.000000e+00> : vector<2048xf32>
    %reduce_sum3A_2 = vector.multi_reduction <add>, %get3A_1, %reduce_sum3A [0] : vector<32x2048xf32> to vector<2048xf32>
    %get3A_3 = arith.constant 0 : index
    %get3A_4 = arith.constant 0 : index
    %get3A_5 = vector.load %arg1[%get3A_3, %get3A_4] : memref<32x2048xf32, #tpu.memory_space<vmem>>, vector<32x2048xf32>
    %reduce_sum3A_6 = arith.constant dense<0.000000e+00> : vector<2048xf32>
    %reduce_sum3A_7 = vector.multi_reduction <add>, %get3A_5, %reduce_sum3A_6 [0] : vector<32x2048xf32> to vector<2048xf32>
    %max3A = arith.constant 1.000000e+00 : f32
    %max3A_8 = vector.broadcast %max3A : f32 to vector<2048xf32>
    %max3A_9 = arith.maximumf %reduce_sum3A_7, %max3A_8 : vector<2048xf32>
    %div3A = arith.divf %reduce_sum3A_2, %max3A_9 : vector<2048xf32>
    %reduce_sum3A_10 = vector.shape_cast %div3A : vector<2048xf32> to vector<1x2048xf32>
    %reduce_sum3A_11 = arith.constant dense<0.000000e+00> : vector<1xf32>
    %reduce_sum3A_12 = vector.multi_reduction <add>, %reduce_sum3A_10, %reduce_sum3A_11 [1] : vector<1x2048xf32> to vector<1xf32>
    %reduce_sum3A_13 = vector.shape_cast %reduce_sum3A_12 : vector<1xf32> to vector<1x1xf32>
    %reduce_sum3A_14 = vector.extract %reduce_sum3A_13[0, 0] : f32 from vector<1x1xf32>
    %div3A_15 = arith.constant 2.048000e+03 : f32
    %div3A_16 = arith.divf %reduce_sum3A_14, %div3A_15 : f32
    %broadcast_in_dim3A = vector.broadcast %div3A_16 : f32 to vector<8x128xf32>
    %swap3A = arith.constant 0 : index
    %swap3A_17 = arith.constant 0 : index
    %swap3A_18 = vector.load %arg2[%swap3A, %swap3A_17] : memref<8x128xf32, #tpu.memory_space<vmem>>, vector<8x128xf32>
    tpu.vector_store %arg2[%swap3A, %swap3A_17], %broadcast_in_dim3A {strides = array<i32>} : memref<8x128xf32, #tpu.memory_space<vmem>>, vector<8x128xf32>,
    return
  }
}

module attributes {stable_mosaic.version = 14 : i64} {
  func.func @_ce_body(%arg0: i32, %arg1: memref<16384x100xf32, #tpu.memory_space<vmem>>, %arg2: memref<16384xi32, #tpu.memory_space<vmem>>, %arg3: memref<128x128xf32, #tpu.memory_space<vmem>>) attributes {dimension_semantics = [#tpu.dimension_semantics<arbitrary>], iteration_bounds = array<i64: 16>, scalar_prefetch = 0 : i64, scratch_operands = 0 : i64, tpu.core_type = #tpu.core_type<tc>, window_params = [{transform_indices = @transform_0, window_bounds = array<i64: 16384, 100>}, {transform_indices = @transform_1, window_bounds = array<i64: 16384>}, {transform_indices = @transform_2, window_bounds = array<i64: 128, 128>}]} {
    %get3A = arith.constant 0 : index
    %get3A_0 = arith.constant 0 : index
    %get3A_1 = vector.load %arg1[%get3A, %get3A_0] : memref<16384x100xf32, #tpu.memory_space<vmem>>, vector<16384x100xf32>
    %get3A_2 = arith.constant 0 : index
    %get3A_3 = vector.load %arg2[%get3A_2] : memref<16384xi32, #tpu.memory_space<vmem>>, vector<16384xi32>
    %sub3A = arith.constant 1 : i32
    %sub3A_4 = vector.broadcast %sub3A : i32 to vector<16384xi32>
    %sub3A_5 = arith.subi %get3A_3, %sub3A_4 : vector<16384xi32>
    %reduce_max3A = arith.constant dense<0xFF800000> : vector<16384xf32>
    %reduce_max3A_6 = vector.multi_reduction <maximumf>, %get3A_1, %reduce_max3A [1] : vector<16384x100xf32> to vector<16384xf32>
    %broadcast_in_dim3A = vector.shape_cast %reduce_max3A_6 : vector<16384xf32> to vector<16384x1xf32>
    %sub3A_7 = vector.broadcast %broadcast_in_dim3A : vector<16384x1xf32> to vector<16384x100xf32>
    %sub3A_8 = arith.subf %get3A_1, %sub3A_7 : vector<16384x100xf32>
    %exp3A = math.exp %sub3A_8 : vector<16384x100xf32>
    %iota3A = tpu.iota {dimensions = array<i32: 1>} : vector<16384x100xi32>
    %broadcast_in_dim3A_9 = vector.shape_cast %sub3A_5 : vector<16384xi32> to vector<16384x1xi32>
    %eq3A = vector.broadcast %broadcast_in_dim3A_9 : vector<16384x1xi32> to vector<16384x100xi32>
    %eq3A_10 = arith.cmpi eq, %iota3A, %eq3A : vector<16384x100xi32>
    %jit3A = arith.constant 0.000000e+00 : f32
    %broadcast_in_dim3A_11 = vector.broadcast %jit3A : f32 to vector<16384x100xf32>
    %select_n3A = arith.select %eq3A_10, %get3A_1, %broadcast_in_dim3A_11 : vector<16384x100xi1>, vector<16384x100xf32>
    %broadcast_in_dim3A_12 = arith.constant 1.000000e+00 : f32
    %broadcast_in_dim3A_13 = vector.broadcast %broadcast_in_dim3A_12 : f32 to vector<100x128xf32>
    %dot_general3A = arith.constant dense<0.000000e+00> : vector<16384x128xf32>
    %dot_general3A_14 = tpu.matmul %exp3A, %broadcast_in_dim3A_13, %dot_general3A {dimension_numbers = #tpu.dot_dimension_numbers<[1], [0], [0], [1], [0, 0, 1, 1], [], []>, transpose_lhs_hint = false} : vector<16384x100xf32>, vector<100x128xf32>, vector<16384x128xf32> -> vector<16384x128xf32>
    %dot_general3A_15 = arith.constant dense<0.000000e+00> : vector<16384x128xf32>
    %dot_general3A_16 = tpu.matmul %select_n3A, %broadcast_in_dim3A_13, %dot_general3A_15 {dimension_numbers = #tpu.dot_dimension_numbers<[1], [0], [0], [1], [0, 0, 1, 1], [], []>, transpose_lhs_hint = false} : vector<16384x100xf32>, vector<100x128xf32>, vector<16384x128xf32> -> vector<16384x128xf32>
    %log3A = math.log %dot_general3A_14 : vector<16384x128xf32>
    %add3A = vector.broadcast %broadcast_in_dim3A : vector<16384x1xf32> to vector<16384x128xf32>
    %add3A_17 = arith.addf %add3A, %log3A : vector<16384x128xf32>
    %sub3A_18 = arith.subf %add3A_17, %dot_general3A_16 : vector<16384x128xf32>
    %iota3A_19 = tpu.iota {dimensions = array<i32: 0>} : vector<16384x128xi32>
    %iota3A_20 = tpu.iota {dimensions = array<i32: 1>} : vector<16384x128xi32>
    %and3A = arith.constant 127 : i32
    %and3A_21 = vector.broadcast %and3A : i32 to vector<16384x128xi32>
    %and3A_22 = arith.andi %iota3A_19, %and3A_21 : vector<16384x128xi32>
    %eq3A_23 = arith.cmpi eq, %and3A_22, %iota3A_20 : vector<16384x128xi32>
    %jit3A_24 = arith.constant 0.000000e+00 : f32
    %broadcast_in_dim3A_25 = vector.broadcast %jit3A_24 : f32 to vector<16384x128xf32>
    %select_n3A_26 = arith.select %eq3A_23, %sub3A_18, %broadcast_in_dim3A_25 : vector<16384x128xi1>, vector<16384x128xf32>
    %reshape3A = vector.shape_cast %select_n3A_26 : vector<16384x128xf32> to vector<128x128x128xf32>
    %reduce_sum3A = arith.constant dense<0.000000e+00> : vector<128x128xf32>
    %reduce_sum3A_27 = vector.multi_reduction <add>, %reshape3A, %reduce_sum3A [1] : vector<128x128x128xf32> to vector<128x128xf32>
    %swap3A = arith.constant 0 : index
    %swap3A_28 = arith.constant 0 : index
    %swap3A_29 = vector.load %arg3[%swap3A, %swap3A_28] : memref<128x128xf32, #tpu.memory_space<vmem>>, vector<128x128xf32>
    tpu.vector_store %arg3[%swap3A, %swap3A_28], %reduce_sum3A_27 {strides = array<i32>} : memref<128x128xf32, #tpu.memory_space<vmem>>, vector<128x128xf32>,
    return
  }
  func.func @transform_0(%arg0: i32) -> (i32, i32) {
    %c0_i32 = arith.constant 0 : i32
    %c0_i32_0 = arith.constant 0 : i32
    return %arg0, %c0_i32 : i32, i32
  }
  func.func @transform_1(%arg0: i32) -> i32 {
    %c0_i32 = arith.constant 0 : i32
    return %arg0 : i32
  }
  func.func @transform_2(%arg0: i32) -> (i32, i32) {
    %c0_i32 = arith.constant 0 : i32
    %c0_i32_0 = arith.constant 0 : i32
    return %arg0, %c0_i32 : i32, i32
  }
}

</mosaic_0001>

<sc_bundles>
// kernel: kernel.5.cloned.1.call-start
scs
__scs_entry_jumppad:
0x0: {  	(pc) =	sbr.rel $0x88, $3  }
0x1: {  	(tag) =	ssettag $0x0;
	lr =	simm.s32 $0x1  }
0x2: {  	[smem:$0x3F9E] =	sst lr;
	_ =	strace $0xD0000000  }
0x3: {  	_ = 	snop  }
0x4: {  	_ = 	snop  }
0x5: {  	_ = 	snop  }
0x6: {  	_ = 	snop  }
0x7: {  	_ = 	snop  }
__scs_overlays_trampoline_lowered:
0x8: {  	[smem:$0x3FAD] =	sst s0  }
0x9: {  	[smem:$0x3FAE] =	sst s1  }
0xa: {  	[smem:$0x3FAF] =	sst s2  }
0xb: {  	[smem:$0x3FB0] =	sst s3  }
0xc: {  	[smem:$0x3FB1] =	sst s4  }
0xd: {  	[smem:$0x3FB2] =	sst s5  }
0xe: {  	[smem:$0x3FB3] =	sst s6  }
0xf: {  	[smem:$0x3FB4] =	sst s7  }
0x10: {  	[smem:$0x3FB5] =	sst s8  }
0x11: {  	[smem:$0x3FB6] =	sst s9;
	s0 =	simm.s32 @!p0 $0x0  }
0x12: {  	s1 =	sld [smem:$0x3F9C];
	s0 =	simm.s32 @p0 $0x1  }
0x13: {  	[smem:$0x3FB7] =	sst s0;
	s0 =	simm.s32 @!p1 $0x0  }
0x14: {  	s2 =	sld [smem:$0x3F9B];
	s0 =	simm.s32 @p1 $0x1  }
0x15: {  	[smem:$0x3FB8] =	sst s0;
	s0 =	simm.s32 @!p2 $0x0  }
0x16: {  	s3 =	sld [smem:$0x3FDB];
	s0 =	simm.s32 @p2 $0x1  }
0x17: {  	s4 =	simm.s32 $0x1BF5;
	[smem:$0x3FBA] =	sst s0  }
0x18: {  	s0 =	sld [smem:$0x3F9D];
	_ =	swait.ge [sflag:s4], $0x0  }
0x19: {  	s7 =	sld [smem:$0x3F9E]  }
0x1a: {  	s8 =	sadd.s32 $0xFFFFE003, lr  }
0x1b: {  	s9 =	sadd.s32 $0xFFFFFEF7, lr;
	s5 =	simm.s32 $0xFFFFFFFF;
	p2 =	slt.u32 s8, $0xFFFFF086  }
0x1c: {  	p1 =	slt.u32 s9, $0xF7A;
	s5 =	simm.s32 @!p2 $0x0  }
0x1d: {  	s5 =	simm.s32 @p1 $0x1;
	p0 =	seq.s32 s7, s2  }
0x1e: {  	s7 =	smul.u32 @!p0 $0xF7A, s2;
	p2 =	seq.s32 @!p0 s5, $0x0  }
0x1f: {  	s9 =	smul.u32 $0xF7A, s1;
	s8 =	simm.s32 @!p0 $0x1BF5;
	p2 =	por !p2, p0  }
0x20: {  	[sflag:s8] =	ssyncset.s32 @!p0 $0xFFFFF086;
	s6 =	sadd.s32 @!p0 s3, s7;
	s7 =	simm.s32 @!p0 $0x108  }
0x21: {  	s3 =	sadd.s32 s3, s9;
	s6 =	sadd.s32 @!p0 $0x88, s6;
	s7 =	simm.s32 @p2 $0x1082  }
0x22: {  	[simem:s7], [sflag:s8] =	dma.local @!p0 [hbm:s6], $0xF7A  }
0x23: {  	s9 =	sor.u32 $0xD0000000, s2;
	s6 =	simm.s32 $0x108;
	_ =	swait.ge @!p0 [sflag:s8], $0x0  }
0x24: {  	s3 =	sadd.s32 $0x88, s3;
	s6 =	simm.s32 @!p1 $0x1082;
	[sflag:s4] =	ssyncset.s32 $0xFFFFF086  }
0x25: {  	[simem:s6], [sflag:s4] =	dma.local [hbm:s3], $0xF7A  }
0x26: {  	[smem:$0x3F9E] =	sst s1;
	(tag) =	ssettag s2;
	_ =	strace s9  }
0x27: {  	s1 =	sld [smem:$0x3FAE]  }
0x28: {  	s2 =	sld [smem:$0x3FAF]  }
0x29: {  	s4 =	sld [smem:$0x3FB1]  }
0x2a: {  	p0 =	seq.s32 s5, $0x0;
	s5 =	sld [smem:$0x3FB2]  }
0x2b: {  	s6 =	sld [smem:$0x3FB3]  }
0x2c: {  	s7 =	sld [smem:$0x3FB4]  }
0x2d: {  	s3 =	simm.s32 $0x108;
	s8 =	sld [smem:$0x3FB5]  }
0x2e: {  	s3 =	simm.s32 @!p0 $0x1082;
	s9 =	sld [smem:$0x3FB6]  }
0x2f: {  	lr =	sadd.s32 s0, s3;
	s0 =	sld [smem:$0x3FAD]  }
0x30: {  	s3 =	sld [smem:$0x3FB0]  }
0x31: {  	[smem:$0x3FB9] =	sst s10  }
0x32: {  	s10 =	sld [smem:$0x3FB7];
	_ =	sdelay $0x3  }
0x33: {  	p0 =	seq.s32 s10, $0x1;
	s10 =	sld [smem:$0x3FB9];
	_ =	sdelay $0x3  }
0x34: {  	[smem:$0x3FB9] =	sst s10  }
0x35: {  	s10 =	sld [smem:$0x3FB8];
	_ =	sdelay $0x3  }
0x36: {  	p1 =	seq.s32 s10, $0x1;
	s10 =	sld [smem:$0x3FB9];
	_ =	sdelay $0x3  }
0x37: {  	[smem:$0x3FB9] =	sst s10  }
0x38: {  	s10 =	sld [smem:$0x3FBA]  }
0x39: {  	_ = 	snop;
	(pc) =	sbr.ind lr, $3  }
0x3a: {  	_ = 	snop  }
0x3b: {  	_ = 	snop  }
0x3c: {  	p2 =	seq.s32 s10, $0x1;
	s10 =	sld [smem:$0x3FB9]  }
0x3d: {  	_ =	shalt  }
0x3e: {  	_ =	shalt  }
0x3f: {  	_ =	shalt  }
0x40: {  	_ =	shalt  }
0x41: {  	_ =	shalt  }
0x42: {  	_ =	shalt  }
0x43: {  	_ =	shalt  }
0x44: {  	_ =	shalt  }
0x45: {  	_ =	shalt  }
0x46: {  	_ =	shalt  }
0x47: {  	_ =	shalt  }
0x48: {  	_ =	shalt  }
0x49: {  	_ =	shalt  }
0x4a: {  	_ =	shalt  }
0x4b: {  	_ =	shalt  }
0x4c: {  	_ =	shalt  }
0x4d: {  	_ =	shalt  }
0x4e: {  	_ =	shalt  }
0x4f: {  	_ =	shalt  }
0x50: {  	_ =	shalt  }
0x51: {  	_ =	shalt  }
0x52: {  	_ =	shalt  }
0x53: {  	_ =	shalt  }
0x54: {  	_ =	shalt  }
0x55: {  	_ =	shalt  }
0x56: {  	_ =	shalt  }
0x57: {  	_ =	shalt  }
0x58: {  	_ =	shalt  }
0x59: {  	_ =	shalt  }
0x5a: {  	_ =	shalt  }
0x5b: {  	_ =	shalt  }
0x5c: {  	_ =	shalt  }
0x5d: {  	_ =	shalt  }
0x5e: {  	_ =	shalt  }
0x5f: {  	_ =	shalt  }
0x60: {  	_ =	shalt  }
0x61: {  	_ =	shalt  }
0x62: {  	_ =	shalt  }
0x63: {  	_ =	shalt  }
0x64: {  	_ =	shalt  }
0x65: {  	_ =	shalt  }
0x66: {  	_ =	shalt  }
0x67: {  	_ =	shalt  }
0x68: {  	_ =	shalt  }
0x69: {  	_ =	shalt  }
0x6a: {  	_ =	shalt  }
0x6b: {  	_ =	shalt  }
0x6c: {  	_ =	shalt  }
0x6d: {  	_ =	shalt  }
0x6e: {  	_ =	shalt  }
0x6f: {  	_ =	shalt  }
0x70: {  	_ =	shalt  }
0x71: {  	_ =	shalt  }
0x72: {  	_ =	shalt  }
0x73: {  	_ =	shalt  }
0x74: {  	_ =	shalt  }
0x75: {  	_ =	shalt  }
0x76: {  	_ =	shalt  }
0x77: {  	_ =	shalt  }
0x78: {  	_ =	shalt  }
0x79: {  	_ =	shalt  }
0x7a: {  	_ =	shalt  }
0x7b: {  	_ =	shalt  }
0x7c: {  	_ =	shalt  }
0x7d: {  	_ =	shalt  }
0x7e: {  	_ =	shalt  }
0x7f: {  	_ =	shalt  }
0x80: {  	_ =	shalt  }
0x81: {  	_ =	shalt  }
0x82: {  	_ =	shalt  }
0x83: {  	_ =	shalt  }
0x84: {  	_ =	shalt  }
0x85: {  	_ =	shalt  }
0x86: {  	_ =	shalt  }
0x87: {  	_ =	shalt  }
.Lfunc_end0:
.L_simem_size_0:
called_computation_lowered:
.L_overlay_start_0:
0x88: {  	s2 =	sld [smem:$0x3FD9]  }
0x89: {  	s3 =	sld [smem:$0x3FFE];
	_ =	sdelay $0x1  }
0x8a: {  	s1 =	srdreg.scid  }
0x8b: {  	s0 =	sand.u32 $0x1, s1  }
0x8c: {  	s17 =	sshll.u32 s0, $0xA;
	s2 =	sadd.s32 s3, s2  }
0x8d: {  	s2 =	sadd.s32 s2, s17  }
0x8e: {  	[smem:$0x3FC5] =	sst s2  }
0x8f: {  	_ = 	snop  }
0x90: {  	s2 =	sld [smem:$0x3FC7];
	(tm) =	ssettm $0x1  }
0x91: {  	s18 =	sld [smem:$0x3FFB];
	_ =	sdelay $0x3  }
0x92: {  	_ =	strace s18  }
0x93: {  	s3 =	sld [smem:$0x3FFC];
	_ =	sdelay $0x3  }
0x94: {  	_ =	strace s3  }
0x95: {  	s3 =	sld [smem:$0x3FFD];
	_ =	sdelay $0x3  }
0x96: {  	_ =	strace s3  }
0x97: {  	_ =	strace $0x8FFFFFFF  }
0x98: {  	s19 =	sld [smem:$0x3FDB];
	_ =	sdelay $0x1  }
0x99: {  	s4 =	simm.s32 $_scs_section_size  }
0x9a: {  	s5 =	simm.s32 $_size__tile_overlayer_lowered;
	s6 =	simm.s32 $_tile_overlayer_lowered  }
0x9b: {  	s22 =	simm.s32 $0x1BFF;
	s21 =	sshll.u32 s6, $0x1;
	s3 =	sadd.s32 s4, s19  }
0x9c: {  	s7 =	simm.s32 $0x0;
	s20 =	sshll.u32 s5, $0x1;
	s5 =	sadd.s32 s21, s3  }
0x9d: {  	[timem:s7], [sflag:s22] =	dma.local [hbm:s5], s20  }
0x9e: {  	_ =	swait.ge [sflag:s22], s20  }
0x9f: {  	s4 =	ssub.s32 $0x0, s20;
	[sflag:s22] =	ssyncset.done $0x0  }
0xa0: {  	[sflag:s22] =	ssyncadd.s32 s4;
	_ =	sdelay $0x1  }
0xa1: {  	s23 =	simm.s32 $0x1B8B  }
0xa2: {  	_ =	swait.ge [sflag:s23], $0x1  }
0xa3: {  	[sflag:s23] =	ssyncset.done $0x0  }
0xa4: {  	s25 =	simm.s32 $0x1B8E;
	s24 =	sld [smem:$0x3FFE];
	[sflag:s23] =	ssyncadd.s32 $0xFFFFFFFF  }
0xa5: {  	s26 =	simm.s32 $execute0_lowered;
	[smem:$0x3FD2] =	sst s25  }
0xa6: {  	s5 =	sshll.u32 s26, $0x1;
	_ =	strace $0x80000046;
	[dreg:$0x1] =	wrdreg $0xFFFFFFFF  }
0xa7: {  	s28 =	simm.s32 $_size_execute0_lowered;
	s3 =	sadd.s32 s3, s5;
	[dreg:$0x0] =	wrdreg $0x0  }
0xa8: {  	s5 =	sshll.u32 s28, $0x1;
	[dreg:$0x2] =	wrdreg s3  }
0xa9: {  	[dreg:$0x3] =	wrdreg s5  }
0xaa: {  	[dreg:$0x4] =	wrdreg $0xC0  }
0xab: {  	_ =	task [dreg:s7], $0x5FFFF  }
0xac: {  	[dreg:$0x1] =	wrdreg $0xFFFFFFFF  }
0xad: {  	[dreg:$0x0] =	wrdreg $0x60  }
0xae: {  	[dreg:$0x2] =	wrdreg s24  }
0xaf: {  	[dreg:$0x3] =	wrdreg s2  }
0xb0: {  	[dreg:$0x4] =	wrdreg $0x9  }
0xb1: {  	_ =	task.clear_ibuf [dreg:s7], $0x5FFFF;
	_ =	strace $0x90000046  }
0xb2: {  	s29 =	simm.s32 $0x9;
	_ =	strace $0x80000048  }
0xb3: {  	_ =	swait.ge [sflag:s29], $0x1  }
0xb4: {  	[sflag:s29] =	ssyncadd.s32 $0xFFFFFFFF  }
0xb5: {  	_ =	strace $0x90000048  }
0xb6: {  	_ =	sfence  }
0xb7: {  	s30 =	sld [smem:$0x0];
	_ =	sdelay $0x2  }
0xb8: {  	s31 =	sshll.u32 s1, $0xD;
	s1 =	sshrl.u32 s1, $0x2  }
0xb9: {  	s3 =	sand.u32 $0x4000, s31;
	s1 =	sadd.s32 s1, s30  }
0xba: {  	s0 =	sor.u32 s3, s0;
	s1 =	sshll.u32 s1, $0x11  }
0xbb: {  	s0 =	sor.u32 s1, s0  }
0xbc: {  	s0 =	sadd.s32 $0x8F2B, s0  }
0xbd: {  	[sflag:s0] =	ssyncadd.remote.s32 $0x1  }
0xbe: {  	_ =	sfence.sel $0xFFFF  }
0xbf: {  	[dreg:$0x0] =	wrdreg $0xFFFFFFFF;
	(pc) =	sbr.abs _section_cstart, $3  }
0xc0: {  	[dreg:$0x1] =	wrdreg $0xFFFFFFFF  }
0xc1: {  	_ =	task.clear_ibuf [dreg:s7], $0x2FFFF;
	_ =	strace $0x9FFFFFFF  }
0xc2: {  	(tm) =	ssettm $0x7FFFFFFF  }
0xc3: {  	_ =	shalt  }
tec
execute0_lowered:
.L_overlay_start_1:
0x0: {  	(tag) =	ssettag $0x1  }
0x1: {  	s3 =	rddreg [dreg:$0x0]  }
0x2: {  	s0 =	srdreg.scid;
	s5 =	rddreg [dreg:$0x1]  }
0x3: {  	s1 =	stileid.u32;
	s2 =	simm.s32 $0x0;
	s10 =	simm.s32 $0x4000  }
0x4: {  	s11 =	simm.s32 $0x4800;
	s12 =	simm.s32 $0x80;
	s4 =	sand.u32 $0x1, s0  }
0x5: {  	s13 =	simm.s32 $0x400;
	s0 =	rddreg [dreg:$0x2];
	s6 =	sshll.u32 s4, $0x4  }
0x6: {  	s14 =	simm.s32 $0x0;
	[smem:$0x7FF] =	sst s2;
	s6 =	sor.u32 s1, s6  }
0x7: {  	s8 =	sshll.u32 s1, $0x4;
	_ =	strace $0x80000047;
	s7 =	sshll.u32 s6, $0x8  }
0x8: {  	s4 =	ssub.s32 $0x2, s4;
	s6 =	sshll.u32 s6, $0xA;
	s7 =	sor.u32 s8, s7  }
0x9: {  	s31 =	sshrl.u32 s4, $0x1;
	s9 =	sadd.s32 s6, s3;
	s7 =	sand.u32 $0x1870, s7  }
0xa: {  	s8 =	ssub.s32 s4, s31;
	s4 =	sadd.s32 $0x1000, s9;
	s7 =	sadd.s32 s7, s3  }
0xb: {  	s9 =	simm.s32 $0x2000;
	s3 =	sadd.s32 s5, s6;
	s5 =	sadd.s32 $0x9000, s7  }
0xc: {  	v0 =	vimm.f32 $0.0e+00;
	v1 =	vimm.f32 $1.000000000e+00;
	s6 =	sadd.s32 $0xB000, s7;
	s7 =	smax.u32 s8, $0x1;
	s8 =	simm.s32 $0x1  }
.LBB2_1:
0xd: {  	[tilespmem:s2], [sflag:$0x1] =	stream.linear.gather [hbm4b:s3+s2], $0x2000, $0x38;
	[tilespmem:$0x5000] =	vst v63  }
0xe: {  	_ =	swait.ge [sflag:s8], $0x2000  }
0xf: {  	[sflag:s8] =	ssyncset.done $0x0  }
0x10: {  	[sflag:s8] =	ssyncadd.s32 $0xFFFFE000  }
0x11: {  	[tilespmem:s9], [sflag:$0x1] =	stream.linear.gather [hbm4b:s4+s2], $0x2000, $0x38;
	[tilespmem:$0x5000] =	vst v63  }
0x12: {  	_ =	swait.ge [sflag:s8], $0x2000  }
0x13: {  	[sflag:s8] =	ssyncset.done $0x0  }
0x14: {  	[sflag:s8] =	ssyncadd.s32 $0xFFFFE000  }
0x15: {  	[tilespmem:$0x4000] =	vst v0  }
0x16: {  	[tilespmem:$0x4800] =	vst v0  }
0x17: {  	[tilespmem:$0x4010] =	vst v0  }
0x18: {  	[tilespmem:$0x4810] =	vst v0  }
0x19: {  	[tilespmem:$0x4020] =	vst v0  }
0x1a: {  	[tilespmem:$0x4820] =	vst v0  }
0x1b: {  	[tilespmem:$0x4030] =	vst v0  }
0x1c: {  	[tilespmem:$0x4830] =	vst v0  }
0x1d: {  	[tilespmem:$0x4040] =	vst v0  }
0x1e: {  	[tilespmem:$0x4840] =	vst v0  }
0x1f: {  	[tilespmem:$0x4050] =	vst v0  }
0x20: {  	[tilespmem:$0x4850] =	vst v0  }
0x21: {  	[tilespmem:$0x4060] =	vst v0  }
0x22: {  	[tilespmem:$0x4860] =	vst v0  }
0x23: {  	[tilespmem:$0x4070] =	vst v0  }
0x24: {  	[tilespmem:$0x4870] =	vst v0  }
0x25: {  	[tilespmem:$0x4080] =	vst v0  }
0x26: {  	[tilespmem:$0x4880] =	vst v0  }
0x27: {  	[tilespmem:$0x4090] =	vst v0  }
0x28: {  	[tilespmem:$0x4890] =	vst v0  }
0x29: {  	[tilespmem:$0x40A0] =	vst v0  }
0x2a: {  	[tilespmem:$0x48A0] =	vst v0  }
0x2b: {  	[tilespmem:$0x40B0] =	vst v0  }
0x2c: {  	[tilespmem:$0x48B0] =	vst v0  }
0x2d: {  	[tilespmem:$0x40C0] =	vst v0  }
0x2e: {  	[tilespmem:$0x48C0] =	vst v0  }
0x2f: {  	[tilespmem:$0x40D0] =	vst v0  }
0x30: {  	[tilespmem:$0x48D0] =	vst v0  }
0x31: {  	[tilespmem:$0x40E0] =	vst v0  }
0x32: {  	[tilespmem:$0x48E0] =	vst v0  }
0x33: {  	[tilespmem:$0x40F0] =	vst v0  }
0x34: {  	[tilespmem:$0x48F0] =	vst v0  }
0x35: {  	[tilespmem:$0x4100] =	vst v0  }
0x36: {  	[tilespmem:$0x4900] =	vst v0  }
0x37: {  	[tilespmem:$0x4110] =	vst v0  }
0x38: {  	[tilespmem:$0x4910] =	vst v0  }
0x39: {  	[tilespmem:$0x4120] =	vst v0  }
0x3a: {  	[tilespmem:$0x4920] =	vst v0  }
0x3b: {  	[tilespmem:$0x4130] =	vst v0  }
0x3c: {  	[tilespmem:$0x4930] =	vst v0  }
0x3d: {  	[tilespmem:$0x4140] =	vst v0  }
0x3e: {  	[tilespmem:$0x4940] =	vst v0  }
0x3f: {  	[tilespmem:$0x4150] =	vst v0  }
0x40: {  	[tilespmem:$0x4950] =	vst v0  }
0x41: {  	[tilespmem:$0x4160] =	vst v0  }
0x42: {  	[tilespmem:$0x4960] =	vst v0  }
0x43: {  	[tilespmem:$0x4170] =	vst v0  }
0x44: {  	[tilespmem:$0x4970] =	vst v0  }
0x45: {  	[tilespmem:$0x4180] =	vst v0  }
0x46: {  	[tilespmem:$0x4980] =	vst v0  }
0x47: {  	[tilespmem:$0x4190] =	vst v0  }
0x48: {  	[tilespmem:$0x4990] =	vst v0  }
0x49: {  	[tilespmem:$0x41A0] =	vst v0  }
0x4a: {  	[tilespmem:$0x49A0] =	vst v0  }
0x4b: {  	[tilespmem:$0x41B0] =	vst v0  }
0x4c: {  	[tilespmem:$0x49B0] =	vst v0  }
0x4d: {  	[tilespmem:$0x41C0] =	vst v0  }
0x4e: {  	[tilespmem:$0x49C0] =	vst v0  }
0x4f: {  	[tilespmem:$0x41D0] =	vst v0  }
0x50: {  	[tilespmem:$0x49D0] =	vst v0  }
0x51: {  	[tilespmem:$0x41E0] =	vst v0  }
0x52: {  	[tilespmem:$0x49E0] =	vst v0  }
0x53: {  	[tilespmem:$0x41F0] =	vst v0  }
0x54: {  	[tilespmem:$0x49F0] =	vst v0  }
0x55: {  	[tilespmem:$0x4200] =	vst v0  }
0x56: {  	[tilespmem:$0x4A00] =	vst v0  }
0x57: {  	[tilespmem:$0x4210] =	vst v0  }
0x58: {  	[tilespmem:$0x4A10] =	vst v0  }
0x59: {  	[tilespmem:$0x4220] =	vst v0  }
0x5a: {  	[tilespmem:$0x4A20] =	vst v0  }
0x5b: {  	[tilespmem:$0x4230] =	vst v0  }
0x5c: {  	[tilespmem:$0x4A30] =	vst v0  }
0x5d: {  	[tilespmem:$0x4240] =	vst v0  }
0x5e: {  	[tilespmem:$0x4A40] =	vst v0  }
0x5f: {  	[tilespmem:$0x4250] =	vst v0  }
0x60: {  	[tilespmem:$0x4A50] =	vst v0  }
0x61: {  	[tilespmem:$0x4260] =	vst v0  }
0x62: {  	[tilespmem:$0x4A60] =	vst v0  }
0x63: {  	[tilespmem:$0x4270] =	vst v0  }
0x64: {  	[tilespmem:$0x4A70] =	vst v0  }
0x65: {  	[tilespmem:$0x4280] =	vst v0  }
0x66: {  	[tilespmem:$0x4A80] =	vst v0  }
0x67: {  	[tilespmem:$0x4290] =	vst v0  }
0x68: {  	[tilespmem:$0x4A90] =	vst v0  }
0x69: {  	[tilespmem:$0x42A0] =	vst v0  }
0x6a: {  	[tilespmem:$0x4AA0] =	vst v0  }
0x6b: {  	[tilespmem:$0x42B0] =	vst v0  }
0x6c: {  	[tilespmem:$0x4AB0] =	vst v0  }
0x6d: {  	[tilespmem:$0x42C0] =	vst v0  }
0x6e: {  	[tilespmem:$0x4AC0] =	vst v0  }
0x6f: {  	[tilespmem:$0x42D0] =	vst v0  }
0x70: {  	[tilespmem:$0x4AD0] =	vst v0  }
0x71: {  	[tilespmem:$0x42E0] =	vst v0  }
0x72: {  	[tilespmem:$0x4AE0] =	vst v0  }
0x73: {  	[tilespmem:$0x42F0] =	vst v0  }
0x74: {  	[tilespmem:$0x4AF0] =	vst v0  }
0x75: {  	[tilespmem:$0x4300] =	vst v0  }
0x76: {  	[tilespmem:$0x4B00] =	vst v0  }
0x77: {  	[tilespmem:$0x4310] =	vst v0  }
0x78: {  	[tilespmem:$0x4B10] =	vst v0  }
0x79: {  	[tilespmem:$0x4320] =	vst v0  }
0x7a: {  	[tilespmem:$0x4B20] =	vst v0  }
0x7b: {  	[tilespmem:$0x4330] =	vst v0  }
0x7c: {  	[tilespmem:$0x4B30] =	vst v0  }
0x7d: {  	[tilespmem:$0x4340] =	vst v0  }
0x7e: {  	[tilespmem:$0x4B40] =	vst v0  }
0x7f: {  	[tilespmem:$0x4350] =	vst v0  }
0x80: {  	[tilespmem:$0x4B50] =	vst v0  }
0x81: {  	[tilespmem:$0x4360] =	vst v0  }
0x82: {  	[tilespmem:$0x4B60] =	vst v0  }
0x83: {  	[tilespmem:$0x4370] =	vst v0  }
0x84: {  	[tilespmem:$0x4B70] =	vst v0  }
0x85: {  	[tilespmem:$0x4380] =	vst v0  }
0x86: {  	[tilespmem:$0x4B80] =	vst v0  }
0x87: {  	[tilespmem:$0x4390] =	vst v0  }
0x88: {  	[tilespmem:$0x4B90] =	vst v0  }
0x89: {  	[tilespmem:$0x43A0] =	vst v0  }
0x8a: {  	[tilespmem:$0x4BA0] =	vst v0  }
0x8b: {  	[tilespmem:$0x43B0] =	vst v0  }
0x8c: {  	[tilespmem:$0x4BB0] =	vst v0  }
0x8d: {  	[tilespmem:$0x43C0] =	vst v0  }
0x8e: {  	[tilespmem:$0x4BC0] =	vst v0  }
0x8f: {  	[tilespmem:$0x43D0] =	vst v0  }
0x90: {  	[tilespmem:$0x4BD0] =	vst v0  }
0x91: {  	[tilespmem:$0x43E0] =	vst v0  }
0x92: {  	[tilespmem:$0x4BE0] =	vst v0  }
0x93: {  	[tilespmem:$0x43F0] =	vst v0  }
0x94: {  	[tilespmem:$0x4BF0] =	vst v0  }
0x95: {  	[tilespmem:$0x4400] =	vst v0  }
0x96: {  	[tilespmem:$0x4C00] =	vst v0  }
0x97: {  	[tilespmem:$0x4410] =	vst v0  }
0x98: {  	[tilespmem:$0x4C10] =	vst v0  }
0x99: {  	[tilespmem:$0x4420] =	vst v0  }
0x9a: {  	[tilespmem:$0x4C20] =	vst v0  }
0x9b: {  	[tilespmem:$0x4430] =	vst v0  }
0x9c: {  	[tilespmem:$0x4C30] =	vst v0  }
0x9d: {  	[tilespmem:$0x4440] =	vst v0  }
0x9e: {  	[tilespmem:$0x4C40] =	vst v0  }
0x9f: {  	[tilespmem:$0x4450] =	vst v0  }
0xa0: {  	[tilespmem:$0x4C50] =	vst v0  }
0xa1: {  	[tilespmem:$0x4460] =	vst v0  }
0xa2: {  	[tilespmem:$0x4C60] =	vst v0  }
0xa3: {  	[tilespmem:$0x4470] =	vst v0  }
0xa4: {  	[tilespmem:$0x4C70] =	vst v0  }
0xa5: {  	[tilespmem:$0x4480] =	vst v0  }
0xa6: {  	[tilespmem:$0x4C80] =	vst v0  }
0xa7: {  	[tilespmem:$0x4490] =	vst v0  }
0xa8: {  	[tilespmem:$0x4C90] =	vst v0  }
0xa9: {  	[tilespmem:$0x44A0] =	vst v0  }
0xaa: {  	[tilespmem:$0x4CA0] =	vst v0  }
0xab: {  	[tilespmem:$0x44B0] =	vst v0  }
0xac: {  	[tilespmem:$0x4CB0] =	vst v0  }
0xad: {  	[tilespmem:$0x44C0] =	vst v0  }
0xae: {  	[tilespmem:$0x4CC0] =	vst v0  }
0xaf: {  	[tilespmem:$0x44D0] =	vst v0  }
0xb0: {  	[tilespmem:$0x4CD0] =	vst v0  }
0xb1: {  	[tilespmem:$0x44E0] =	vst v0  }
0xb2: {  	[tilespmem:$0x4CE0] =	vst v0  }
0xb3: {  	[tilespmem:$0x44F0] =	vst v0  }
0xb4: {  	[tilespmem:$0x4CF0] =	vst v0  }
0xb5: {  	[tilespmem:$0x4500] =	vst v0  }
0xb6: {  	[tilespmem:$0x4D00] =	vst v0  }
0xb7: {  	[tilespmem:$0x4510] =	vst v0  }
0xb8: {  	[tilespmem:$0x4D10] =	vst v0  }
0xb9: {  	[tilespmem:$0x4520] =	vst v0  }
0xba: {  	[tilespmem:$0x4D20] =	vst v0  }
0xbb: {  	[tilespmem:$0x4530] =	vst v0  }
0xbc: {  	[tilespmem:$0x4D30] =	vst v0  }
0xbd: {  	[tilespmem:$0x4540] =	vst v0  }
0xbe: {  	[tilespmem:$0x4D40] =	vst v0  }
0xbf: {  	[tilespmem:$0x4550] =	vst v0  }
0xc0: {  	[tilespmem:$0x4D50] =	vst v0  }
0xc1: {  	[tilespmem:$0x4560] =	vst v0  }
0xc2: {  	[tilespmem:$0x4D60] =	vst v0  }
0xc3: {  	[tilespmem:$0x4570] =	vst v0  }
0xc4: {  	[tilespmem:$0x4D70] =	vst v0  }
0xc5: {  	[tilespmem:$0x4580] =	vst v0  }
0xc6: {  	[tilespmem:$0x4D80] =	vst v0  }
0xc7: {  	[tilespmem:$0x4590] =	vst v0  }
0xc8: {  	[tilespmem:$0x4D90] =	vst v0  }
0xc9: {  	[tilespmem:$0x45A0] =	vst v0  }
0xca: {  	[tilespmem:$0x4DA0] =	vst v0  }
0xcb: {  	[tilespmem:$0x45B0] =	vst v0  }
0xcc: {  	[tilespmem:$0x4DB0] =	vst v0  }
0xcd: {  	[tilespmem:$0x45C0] =	vst v0  }
0xce: {  	[tilespmem:$0x4DC0] =	vst v0  }
0xcf: {  	[tilespmem:$0x45D0] =	vst v0  }
0xd0: {  	[tilespmem:$0x4DD0] =	vst v0  }
0xd1: {  	[tilespmem:$0x45E0] =	vst v0  }
0xd2: {  	[tilespmem:$0x4DE0] =	vst v0  }
0xd3: {  	[tilespmem:$0x45F0] =	vst v0  }
0xd4: {  	[tilespmem:$0x4DF0] =	vst v0  }
0xd5: {  	[tilespmem:$0x4600] =	vst v0  }
0xd6: {  	[tilespmem:$0x4E00] =	vst v0  }
0xd7: {  	[tilespmem:$0x4610] =	vst v0  }
0xd8: {  	[tilespmem:$0x4E10] =	vst v0  }
0xd9: {  	[tilespmem:$0x4620] =	vst v0  }
0xda: {  	[tilespmem:$0x4E20] =	vst v0  }
0xdb: {  	[tilespmem:$0x4630] =	vst v0  }
0xdc: {  	[tilespmem:$0x4E30] =	vst v0  }
0xdd: {  	[tilespmem:$0x4640] =	vst v0  }
0xde: {  	[tilespmem:$0x4E40] =	vst v0  }
0xdf: {  	[tilespmem:$0x4650] =	vst v0  }
0xe0: {  	[tilespmem:$0x4E50] =	vst v0  }
0xe1: {  	[tilespmem:$0x4660] =	vst v0  }
0xe2: {  	[tilespmem:$0x4E60] =	vst v0  }
0xe3: {  	[tilespmem:$0x4670] =	vst v0  }
0xe4: {  	[tilespmem:$0x4E70] =	vst v0  }
0xe5: {  	[tilespmem:$0x4680] =	vst v0  }
0xe6: {  	[tilespmem:$0x4E80] =	vst v0  }
0xe7: {  	[tilespmem:$0x4690] =	vst v0  }
0xe8: {  	[tilespmem:$0x4E90] =	vst v0  }
0xe9: {  	[tilespmem:$0x46A0] =	vst v0  }
0xea: {  	[tilespmem:$0x4EA0] =	vst v0  }
0xeb: {  	[tilespmem:$0x46B0] =	vst v0  }
0xec: {  	[tilespmem:$0x4EB0] =	vst v0  }
0xed: {  	[tilespmem:$0x46C0] =	vst v0  }
0xee: {  	[tilespmem:$0x4EC0] =	vst v0  }
0xef: {  	[tilespmem:$0x46D0] =	vst v0  }
0xf0: {  	[tilespmem:$0x4ED0] =	vst v0  }
0xf1: {  	[tilespmem:$0x46E0] =	vst v0  }
0xf2: {  	[tilespmem:$0x4EE0] =	vst v0  }
0xf3: {  	[tilespmem:$0x46F0] =	vst v0  }
0xf4: {  	[tilespmem:$0x4EF0] =	vst v0  }
0xf5: {  	[tilespmem:$0x4700] =	vst v0  }
0xf6: {  	[tilespmem:$0x4F00] =	vst v0  }
0xf7: {  	[tilespmem:$0x4710] =	vst v0  }
0xf8: {  	[tilespmem:$0x4F10] =	vst v0  }
0xf9: {  	[tilespmem:$0x4720] =	vst v0  }
0xfa: {  	[tilespmem:$0x4F20] =	vst v0  }
0xfb: {  	[tilespmem:$0x4730] =	vst v0  }
0xfc: {  	[tilespmem:$0x4F30] =	vst v0  }
0xfd: {  	[tilespmem:$0x4740] =	vst v0  }
0xfe: {  	[tilespmem:$0x4F40] =	vst v0  }
0xff: {  	[tilespmem:$0x4750] =	vst v0  }
0x100: {  	[tilespmem:$0x4F50] =	vst v0  }
0x101: {  	[tilespmem:$0x4760] =	vst v0  }
0x102: {  	[tilespmem:$0x4F60] =	vst v0  }
0x103: {  	[tilespmem:$0x4770] =	vst v0  }
0x104: {  	[tilespmem:$0x4F70] =	vst v0  }
0x105: {  	[tilespmem:$0x4780] =	vst v0  }
0x106: {  	[tilespmem:$0x4F80] =	vst v0  }
0x107: {  	[tilespmem:$0x4790] =	vst v0  }
0x108: {  	[tilespmem:$0x4F90] =	vst v0  }
0x109: {  	[tilespmem:$0x47A0] =	vst v0  }
0x10a: {  	[tilespmem:$0x4FA0] =	vst v0  }
0x10b: {  	[tilespmem:$0x47B0] =	vst v0  }
0x10c: {  	[tilespmem:$0x4FB0] =	vst v0  }
0x10d: {  	[tilespmem:$0x47C0] =	vst v0  }
0x10e: {  	[tilespmem:$0x4FC0] =	vst v0  }
0x10f: {  	[tilespmem:$0x47D0] =	vst v0  }
0x110: {  	[tilespmem:$0x4FD0] =	vst v0  }
0x111: {  	[tilespmem:$0x47E0] =	vst v0  }
0x112: {  	[tilespmem:$0x4FE0] =	vst v0  }
0x113: {  	[tilespmem:$0x4FF0] =	vst v0  }
0x114: {  	s16 =	simm.s32 $0x0;
	[tilespmem:$0x47F0] =	vst v0  }
0x115: {  	s15 =	simm.s32 $0x40;
	v2 =	vld [tilespmem:s16+$0x0]  }
.LBB2_2:
0x116: {  	p0 =	sne.s32 s15, $0x7FC0;
	_ =	sdelay $0x1  }
0x117: {  	v3 =	vld [tilespmem:s16+$0x2000];
	_ =	sdelay $0x2  }
.Ltmp0:
0x118: {  	(pc) =	sbr.rel @p0 .LBB2_2-.Ltmp0, $4  }
0x119: {  	_ = 	snop  }
0x11a: {  	[tilespmem:v2+s10+$0x0] =	vst.idx.add.f32.msk $0xffff, v3  }
0x11b: {  	s16 =	sshra.s32 s15, $0x2;
	[tilespmem:v2+s11+$0x0] =	vst.idx.add.f32.msk $0xffff, v1  }
0x11c: {  	s15 =	sadd.s32 $0x40, s15;
	v2 =	vld [tilespmem:s16+$0x0]  }
0x11d: {  	_ =	sdelay $0x2  }
0x11e: {  	v3 =	vld [tilespmem:s16+$0x2000];
	_ =	sdelay $0x4  }
0x11f: {  	[tilespmem:v2+s10+$0x0] =	vst.idx.add.f32.msk $0xffff, v3  }
0x120: {  	[tilespmem:v2+s11+$0x0] =	vst.idx.add.f32.msk $0xffff, v1  }
0x121: {  	[hbm4b:s5+s12] =	stream.strided.scatter [tilespmem:s10], [sflag:$0x1], $0x800, s13, s12, $0x38;
	[tilespmem:$0x5000] =	vst v63  }
0x122: {  	s14 =	sadd.s32 $0x1, s14;
	_ =	swait.ge [sflag:s8], $0x800  }
0x123: {  	p0 =	sne.s32 s14, s7;
	[sflag:s8] =	ssyncset.done $0x0  }
.Ltmp1:
0x124: {  	[sflag:s8] =	ssyncadd.s32 $0xFFFFF800;
	(pc) =	sbr.rel @p0 .LBB2_1-.Ltmp1, $4  }
0x125: {  	[hbm4b:s6+s12] =	stream.strided.scatter [tilespmem:s11], [sflag:$0x1], $0x800, s13, s12, $0x38;
	[tilespmem:$0x5000] =	vst v63  }
0x126: {  	_ =	swait.ge [sflag:s8], $0x800  }
0x127: {  	[sflag:s8] =	ssyncset.done $0x0  }
0x128: {  	[sflag:s8] =	ssyncadd.s32 $0xFFFFF800  }
0x129: {  	_ =	sfence.sel $0x180000  }
0x12a: {  	[bflag:$0x0] =	sbarrier.arrive $0xFFFF  }
0x12b: {  	p0 =	sne.s32 s1, $0x0;
	_ =	strace $0x90000047  }
0x12c: {  	s0 =	sadd.s32 @!p0 $0x100000, s0;
	[bflag:$0x2] =	sbarrier.arrive $0xFFFF  }
0x12d: {  	[sflag:s0] =	ssyncadd.tile.s32 @!p0 $0x1;
	_ =	shalt  }
.Lfunc_end2:
_tile_overlayer_lowered:
.L_overlay_start_2:
0x12e: {  	(tag) =	ssettag $0x2  }
0x12f: {  	s0 =	rddreg [dreg:$0x0];
	s2 =	stileid.u32  }
0x130: {  	s1 =	rddreg [dreg:$0x1];
	p0 =	sne.s32 s2, $0x0  }
0x131: {  	s3 =	rddreg [dreg:$0x2];
	[bflag:$0x3] =	sbarrier.arrive $0xFFFF;
	s2 =	simm.s32 @!p0 $0x1C01  }
0x132: {  	[timem:s3], [sflag:s2] =	dma.local @!p0 [hbm:s0], s1  }
0x133: {  	s0 =	simm.s32 @!p0 $0x1  }
0x134: {  	_ =	swait.ge @!p0 [sflag:s0], s1  }
0x135: {  	s1 =	ssub.s32 @!p0 $0x0, s1;
	[sflag:s0] =	ssyncset.done @!p0 $0x0  }
0x136: {  	[sflag:s0] =	ssyncadd.s32 @!p0 s1  }
0x137: {  	[bflag:$0x3] =	sbarrier.arrive $0xFFFF  }
0x138: {  	_ =	shalt  }

</sc_bundles>
